<compile_context>
chip_gen: v7x
topology: tpu7x:2x2x1
jax: 0.10.2.dev20260603
libtpu: 0.0.44.dev20260713+nightly
codegen_flags: <defaults>
</compile_context>

<pallas_src>
import functools

import jax
import jax.numpy as jnp
from jax import lax
from jax.experimental import pallas as pl
from jax.experimental.pallas import tpu as pltpu
from jax.experimental.pallas import tpu_sc as plsc

F = 26
V = 40000
B = 16384
L = 16
H = B // 2
R = H // 16
TAB = 40064
UNROLL = 8


def _fm_body(xt_hbm, wt_hbm, out_hbm,
             taba_v, tabb_v, fidxa_v, fidxb_v, local_v, red_v, acc_v, sums_sh,
             sem_ta, sem_tb, sem_ia, sem_ib, sem_r):
    cid = lax.axis_index("c")
    sid = lax.axis_index("s")
    tabs = (taba_v, tabb_v)
    fidxs = (fidxa_v, fidxb_v)
    sems = ((sem_ta, sem_ia), (sem_tb, sem_ib))

    for k in range(2):
        gf = sid + 16 * k

        @pl.when(gf < F)
        def _():
            d = (gf % 2) * 64
            r0 = pl.multiple_of(gf * V - d, 128)
            pltpu.async_copy(wt_hbm.at[0, pl.ds(r0, TAB)], tabs[k], sems[k][0])
            pltpu.async_copy(xt_hbm.at[gf, pl.ds(cid * H, H)], fidxs[k], sems[k][1])

    for k in range(2):
        gf = sid + 16 * k

        @pl.when(gf < F)
        def _():
            d = (gf % 2) * 64
            pltpu.make_async_copy(wt_hbm.at[0, pl.ds(0, TAB)], tabs[k], sems[k][0]).wait()
            pltpu.make_async_copy(xt_hbm.at[0, pl.ds(0, H)], fidxs[k], sems[k][1]).wait()
            tab_v = tabs[k]
            fidx_v = fidxs[k]

            @plsc.parallel_loop(0, H // L, unroll=UNROLL)
            def gather_chunk(c):
                o = c * L
                idx = fidx_v[pl.ds(o, L)] + d
                g = plsc.load_gather(tab_v, [idx])
                if k == 0:
                    local_v[pl.ds(o, L)] = g
                else:
                    local_v[pl.ds(o, L)] = local_v[pl.ds(o, L)] + g

    pltpu.sync_copy(local_v, sums_sh.at[sid])
    plsc.subcore_barrier()

    row_copies = [
        pltpu.async_copy(sums_sh.at[j, pl.ds(sid * R, R)], red_v.at[j], sem_r)
        for j in range(16)
    ]
    for c in row_copies:
        c.wait()

    @plsc.parallel_loop(0, R // L, unroll=2)
    def add_chunk(c):
        o = c * L
        acc = red_v[0, pl.ds(o, L)]
        for j in range(1, 16):
            acc = acc + red_v[j, pl.ds(o, L)]
        acc_v[pl.ds(o, L)] = acc

    pltpu.sync_copy(acc_v, out_hbm.at[pl.ds(cid * H + sid * R, R)])


_fm_sc = functools.partial(
    pl.kernel,
    out_type=jax.ShapeDtypeStruct((B,), jnp.float32),
    mesh=plsc.VectorSubcoreMesh(core_axis_name="c", subcore_axis_name="s"),
    compiler_params=pltpu.CompilerParams(needs_layout_passes=False),
    scratch_types=[
        pltpu.VMEM((TAB,), jnp.float32),
        pltpu.VMEM((TAB,), jnp.float32),
        pltpu.VMEM((H,), jnp.int32),
        pltpu.VMEM((H,), jnp.int32),
        pltpu.VMEM((H,), jnp.float32),
        pltpu.VMEM((16, R), jnp.float32),
        pltpu.VMEM((R,), jnp.float32),
        pltpu.VMEM_SHARED((16, H), jnp.float32),
        pltpu.SemaphoreType.DMA,
        pltpu.SemaphoreType.DMA,
        pltpu.SemaphoreType.DMA,
        pltpu.SemaphoreType.DMA,
        pltpu.SemaphoreType.DMA,
    ],
)(_fm_body)


@jax.jit
def kernel(x, W):
    out = _fm_sc(x.T, W.T)
    return out.reshape(B, 1)

# --- scband reference (transcript-rebuilt; emitter-appended) ---
"""Pipeline reference for scband-fm-linear-77738908058334 (READ-ONLY COPY).

The authoritative reference and input builder live on the scoring server;
editing this copy changes nothing except your own understanding.
"""

import jax, jax.numpy as jnp
import numpy as np

FIELD_DIMS = [40000] * 26
NUM_EMB = int(np.sum(FIELD_DIMS))
OFFSETS = np.array((0, *np.cumsum(FIELD_DIMS)[:-1]), dtype=np.int32)


def setup_inputs(seed: int = 0) -> dict:
    key = jax.random.key(seed)
    k_x, k_w = jax.random.split(key)
    x = jax.random.randint(k_x, (16384, 26), 0, 40000, dtype=jnp.int32)
    # xavier normal init for nn.Embedding(NUM_EMB, 1): std = sqrt(2/(fan_in+fan_out))
    std = float(np.sqrt(2.0 / (NUM_EMB + 1)))
    W = jax.random.normal(k_w, (NUM_EMB, 1), dtype=jnp.float32) * std
    return {"x": x, "W": W}


def reference(x, W):
    offsets = jnp.asarray(OFFSETS, dtype=x.dtype)
    idx = x + offsets[None, :]           # [B, F]
    linear_term = jnp.take(W, idx, axis=0)  # [B, F, 1] embedding gather
    out = jnp.sum(linear_term, axis=1)      # [B, 1]
    return out

if __name__ == "__main__":
    import jax
    _d = setup_inputs()
    print(jax.jit(kernel)(*tuple(_d.values())))

</pallas_src>

<mosaic_0001>
#map = affine_map<(d0, d1) -> (0, 0)>
#map1 = affine_map<(d0, d1) -> (0)>
module attributes {stable_mosaic.version = 14 : i64} {
  func.func @_fm_body(%arg0: i32, %arg1: i32, %arg2: memref<26x16384xi32, #tpu.memory_space<hbm>>, %arg3: memref<1x1040000xf32, #tpu.memory_space<hbm>>, %arg4: memref<16384xf32, #tpu.memory_space<hbm>>, %arg5: memref<40064xf32, #tpu.memory_space<vmem>>, %arg6: memref<40064xf32, #tpu.memory_space<vmem>>, %arg7: memref<8192xi32, #tpu.memory_space<vmem>>, %arg8: memref<8192xi32, #tpu.memory_space<vmem>>, %arg9: memref<8192xf32, #tpu.memory_space<vmem>>, %arg10: memref<16x512xf32, #tpu.memory_space<vmem>>, %arg11: memref<512xf32, #tpu.memory_space<vmem>>, %arg12: memref<16x8192xf32, #tpu.memory_space<vmem_shared>>, %arg13: memref<!tpu.dma_semaphore, #tpu.memory_space<semaphore_mem>>, %arg14: memref<!tpu.dma_semaphore, #tpu.memory_space<semaphore_mem>>, %arg15: memref<!tpu.dma_semaphore, #tpu.memory_space<semaphore_mem>>, %arg16: memref<!tpu.dma_semaphore, #tpu.memory_space<semaphore_mem>>, %arg17: memref<!tpu.dma_semaphore, #tpu.memory_space<semaphore_mem>>) attributes {dimension_semantics = [#tpu.dimension_semantics<core_parallel>, #tpu.dimension_semantics<subcore_parallel>], iteration_bounds = array<i64: 2, 16>, scalar_prefetch = 0 : i64, scratch_operands = 13 : i64, tpu.core_type = #tpu.core_type<sc_vector_subcore>, window_params = [{transform_indices = #map}, {transform_indices = #map}, {transform_indices = #map1}]} {
    %add3A = arith.constant 0 : i32
    %add3A_0 = arith.addi %arg1, %add3A : i32
    %lt3A = arith.constant 26 : i32
    %lt3A_1 = arith.cmpi slt, %add3A_0, %lt3A : i32
    %convert_element_type3A = arith.extui %lt3A_1 : i1 to i32
    %cond3A = arith.constant 0 : i32
    %cond3A_2 = arith.cmpi ne, %convert_element_type3A, %cond3A : i32
    scf.if %cond3A_2 {
      %jit3A = arith.constant 2 : i32
      %eq3A = arith.constant 0 : i32
      %eq3A_444 = arith.cmpi eq, %jit3A, %eq3A : i32
      %jit3A_445 = arith.constant 1 : i32
      %select_n3A = arith.select %eq3A_444, %jit3A_445, %jit3A : i32
      %rem3A = arith.remsi %add3A_0, %select_n3A : i32
      %ne3A = arith.constant 0 : i32
      %ne3A_446 = arith.cmpi ne, %rem3A, %ne3A : i32
      %lt3A_447 = arith.constant 0 : i32
      %lt3A_448 = arith.cmpi slt, %rem3A, %lt3A_447 : i32
      %lt3A_449 = arith.constant 0 : i32
      %lt3A_450 = arith.cmpi slt, %select_n3A, %lt3A_449 : i32
      %ne3A_451 = arith.xori %lt3A_448, %lt3A_450 : i1
      %and3A = arith.andi %ne3A_451, %ne3A_446 : i1
      %add3A_452 = arith.addi %rem3A, %select_n3A : i32
      %select_n3A_453 = arith.select %and3A, %add3A_452, %rem3A : i32
      %mul3A_454 = arith.constant 64 : i32
      %mul3A_455 = arith.muli %select_n3A_453, %mul3A_454 : i32
      %mul3A_456 = arith.constant 40000 : i32
      %mul3A_457 = arith.muli %add3A_0, %mul3A_456 : i32
      %sub3A = arith.subi %mul3A_457, %mul3A_455 : i32
      %multiple_of3A = tpu.assume_multiple %sub3A, 128 : i32
      %dma_start3A_458 = arith.constant 0 : i32
      %dma_start3A_459 = tpu.memref_slice %arg3[%dma_start3A_458, %multiple_of3A] : memref<1x1040000xf32, #tpu.memory_space<hbm>> -> memref<1x40064xf32, #tpu.memory_space<hbm>>
      %dma_start3A_460 = tpu.memref_squeeze %dma_start3A_459 : memref<1x40064xf32, #tpu.memory_space<hbm>> -> memref<40064xf32, #tpu.memory_space<hbm>>
      %dma_start3A_461 = tpu.memref_slice %arg3[%dma_start3A_458, %multiple_of3A] : memref<1x1040000xf32, #tpu.memory_space<hbm>> -> memref<1x40064xf32, #tpu.memory_space<hbm>>
      %dma_start3A_462 = tpu.memref_squeeze %dma_start3A_461 : memref<1x40064xf32, #tpu.memory_space<hbm>> -> memref<40064xf32, #tpu.memory_space<hbm>>
      tpu.enqueue_dma source(%dma_start3A_462 : memref<40064xf32, #tpu.memory_space<hbm>>) target(%arg5 : memref<40064xf32, #tpu.memory_space<vmem>>) target_semaphore(%arg13 : memref<!tpu.dma_semaphore, #tpu.memory_space<semaphore_mem>>)
      %mul3A_463 = arith.constant 8192 : i32
      %mul3A_464 = arith.muli %arg0, %mul3A_463 : i32
      %dma_start3A_465 = tpu.memref_slice %arg2[%add3A_0, %mul3A_464] : memref<26x16384xi32, #tpu.memory_space<hbm>> -> memref<1x8192xi32, #tpu.memory_space<hbm>>
      %dma_start3A_466 = tpu.memref_squeeze %dma_start3A_465 : memref<1x8192xi32, #tpu.memory_space<hbm>> -> memref<8192xi32, #tpu.memory_space<hbm>>
      %dma_start3A_467 = tpu.memref_slice %arg2[%add3A_0, %mul3A_464] : memref<26x16384xi32, #tpu.memory_space<hbm>> -> memref<1x8192xi32, #tpu.memory_space<hbm>>
      %dma_start3A_468 = tpu.memref_squeeze %dma_start3A_467 : memref<1x8192xi32, #tpu.memory_space<hbm>> -> memref<8192xi32, #tpu.memory_space<hbm>>
      tpu.enqueue_dma source(%dma_start3A_468 : memref<8192xi32, #tpu.memory_space<hbm>>) target(%arg7 : memref<8192xi32, #tpu.memory_space<vmem>>) target_semaphore(%arg15 : memref<!tpu.dma_semaphore, #tpu.memory_space<semaphore_mem>>)
    } else {
    }
    %add3A_3 = arith.constant 16 : i32
    %add3A_4 = arith.addi %arg1, %add3A_3 : i32
    %lt3A_5 = arith.constant 26 : i32
    %lt3A_6 = arith.cmpi slt, %add3A_4, %lt3A_5 : i32
    %convert_element_type3A_7 = arith.extui %lt3A_6 : i1 to i32
    %cond3A_8 = arith.constant 0 : i32
    %cond3A_9 = arith.cmpi ne, %convert_element_type3A_7, %cond3A_8 : i32
    scf.if %cond3A_9 {
      %jit3A = arith.constant 2 : i32
      %eq3A = arith.constant 0 : i32
      %eq3A_444 = arith.cmpi eq, %jit3A, %eq3A : i32
      %jit3A_445 = arith.constant 1 : i32
      %select_n3A = arith.select %eq3A_444, %jit3A_445, %jit3A : i32
      %rem3A = arith.remsi %add3A_4, %select_n3A : i32
      %ne3A = arith.constant 0 : i32
      %ne3A_446 = arith.cmpi ne, %rem3A, %ne3A : i32
      %lt3A_447 = arith.constant 0 : i32
      %lt3A_448 = arith.cmpi slt, %rem3A, %lt3A_447 : i32
      %lt3A_449 = arith.constant 0 : i32
      %lt3A_450 = arith.cmpi slt, %select_n3A, %lt3A_449 : i32
      %ne3A_451 = arith.xori %lt3A_448, %lt3A_450 : i1
      %and3A = arith.andi %ne3A_451, %ne3A_446 : i1
      %add3A_452 = arith.addi %rem3A, %select_n3A : i32
      %select_n3A_453 = arith.select %and3A, %add3A_452, %rem3A : i32
      %mul3A_454 = arith.constant 64 : i32
      %mul3A_455 = arith.muli %select_n3A_453, %mul3A_454 : i32
      %mul3A_456 = arith.constant 40000 : i32
      %mul3A_457 = arith.muli %add3A_4, %mul3A_456 : i32
      %sub3A = arith.subi %mul3A_457, %mul3A_455 : i32
      %multiple_of3A = tpu.assume_multiple %sub3A, 128 : i32
      %dma_start3A_458 = arith.constant 0 : i32
      %dma_start3A_459 = tpu.memref_slice %arg3[%dma_start3A_458, %multiple_of3A] : memref<1x1040000xf32, #tpu.memory_space<hbm>> -> memref<1x40064xf32, #tpu.memory_space<hbm>>
      %dma_start3A_460 = tpu.memref_squeeze %dma_start3A_459 : memref<1x40064xf32, #tpu.memory_space<hbm>> -> memref<40064xf32, #tpu.memory_space<hbm>>
      %dma_start3A_461 = tpu.memref_slice %arg3[%dma_start3A_458, %multiple_of3A] : memref<1x1040000xf32, #tpu.memory_space<hbm>> -> memref<1x40064xf32, #tpu.memory_space<hbm>>
      %dma_start3A_462 = tpu.memref_squeeze %dma_start3A_461 : memref<1x40064xf32, #tpu.memory_space<hbm>> -> memref<40064xf32, #tpu.memory_space<hbm>>
      tpu.enqueue_dma source(%dma_start3A_462 : memref<40064xf32, #tpu.memory_space<hbm>>) target(%arg6 : memref<40064xf32, #tpu.memory_space<vmem>>) target_semaphore(%arg14 : memref<!tpu.dma_semaphore, #tpu.memory_space<semaphore_mem>>)
      %mul3A_463 = arith.constant 8192 : i32
      %mul3A_464 = arith.muli %arg0, %mul3A_463 : i32
      %dma_start3A_465 = tpu.memref_slice %arg2[%add3A_4, %mul3A_464] : memref<26x16384xi32, #tpu.memory_space<hbm>> -> memref<1x8192xi32, #tpu.memory_space<hbm>>
      %dma_start3A_466 = tpu.memref_squeeze %dma_start3A_465 : memref<1x8192xi32, #tpu.memory_space<hbm>> -> memref<8192xi32, #tpu.memory_space<hbm>>
      %dma_start3A_467 = tpu.memref_slice %arg2[%add3A_4, %mul3A_464] : memref<26x16384xi32, #tpu.memory_space<hbm>> -> memref<1x8192xi32, #tpu.memory_space<hbm>>
      %dma_start3A_468 = tpu.memref_squeeze %dma_start3A_467 : memref<1x8192xi32, #tpu.memory_space<hbm>> -> memref<8192xi32, #tpu.memory_space<hbm>>
      tpu.enqueue_dma source(%dma_start3A_468 : memref<8192xi32, #tpu.memory_space<hbm>>) target(%arg8 : memref<8192xi32, #tpu.memory_space<vmem>>) target_semaphore(%arg16 : memref<!tpu.dma_semaphore, #tpu.memory_space<semaphore_mem>>)
    } else {
    }
    %add3A_10 = arith.constant 0 : i32
    %add3A_11 = arith.addi %arg1, %add3A_10 : i32
    %lt3A_12 = arith.constant 26 : i32
    %lt3A_13 = arith.cmpi slt, %add3A_11, %lt3A_12 : i32
    %convert_element_type3A_14 = arith.extui %lt3A_13 : i1 to i32
    %cond3A_15 = arith.constant 0 : i32
    %cond3A_16 = arith.cmpi ne, %convert_element_type3A_14, %cond3A_15 : i32
    scf.if %cond3A_16 {
      %jit3A = arith.constant 2 : i32
      %eq3A = arith.constant 0 : i32
      %eq3A_444 = arith.cmpi eq, %jit3A, %eq3A : i32
      %jit3A_445 = arith.constant 1 : i32
      %select_n3A = arith.select %eq3A_444, %jit3A_445, %jit3A : i32
      %rem3A = arith.remsi %add3A_11, %select_n3A : i32
      %ne3A = arith.constant 0 : i32
      %ne3A_446 = arith.cmpi ne, %rem3A, %ne3A : i32
      %lt3A_447 = arith.constant 0 : i32
      %lt3A_448 = arith.cmpi slt, %rem3A, %lt3A_447 : i32
      %lt3A_449 = arith.constant 0 : i32
      %lt3A_450 = arith.cmpi slt, %select_n3A, %lt3A_449 : i32
      %ne3A_451 = arith.xori %lt3A_448, %lt3A_450 : i1
      %and3A = arith.andi %ne3A_451, %ne3A_446 : i1
      %add3A_452 = arith.addi %rem3A, %select_n3A : i32
      %select_n3A_453 = arith.select %and3A, %add3A_452, %rem3A : i32
      %mul3A_454 = arith.constant 64 : i32
      %mul3A_455 = arith.muli %select_n3A_453, %mul3A_454 : i32
      %dma_wait3A_456 = arith.constant 0 : i32
      %dma_wait3A_457 = arith.constant 0 : i32
      %dma_wait3A_458 = tpu.memref_slice %arg3[%dma_wait3A_456, %dma_wait3A_457] : memref<1x1040000xf32, #tpu.memory_space<hbm>> -> memref<1x40064xf32, #tpu.memory_space<hbm>>
      %dma_wait3A_459 = tpu.memref_squeeze %dma_wait3A_458 : memref<1x40064xf32, #tpu.memory_space<hbm>> -> memref<40064xf32, #tpu.memory_space<hbm>>
      %dma_wait3A_460 = arith.constant 0 : i32
      %dma_wait3A_461 = tpu.memref_slice %arg3[%dma_wait3A_456, %dma_wait3A_460] : memref<1x1040000xf32, #tpu.memory_space<hbm>> -> memref<1x40064xf32, #tpu.memory_space<hbm>>
      %dma_wait3A_462 = tpu.memref_squeeze %dma_wait3A_461 : memref<1x40064xf32, #tpu.memory_space<hbm>> -> memref<40064xf32, #tpu.memory_space<hbm>>
      tpu.wait_dma2 semaphore(%arg13 : memref<!tpu.dma_semaphore, #tpu.memory_space<semaphore_mem>>) src(%dma_wait3A_462 : memref<40064xf32, #tpu.memory_space<hbm>>) dst(%arg5 : memref<40064xf32, #tpu.memory_space<vmem>>)
      %dma_wait3A_463 = arith.constant 0 : i32
      %dma_wait3A_464 = arith.constant 0 : i32
      %dma_wait3A_465 = tpu.memref_slice %arg2[%dma_wait3A_463, %dma_wait3A_464] : memref<26x16384xi32, #tpu.memory_space<hbm>> -> memref<1x8192xi32, #tpu.memory_space<hbm>>
      %dma_wait3A_466 = tpu.memref_squeeze %dma_wait3A_465 : memref<1x8192xi32, #tpu.memory_space<hbm>> -> memref<8192xi32, #tpu.memory_space<hbm>>
      %dma_wait3A_467 = arith.constant 0 : i32
      %dma_wait3A_468 = tpu.memref_slice %arg2[%dma_wait3A_463, %dma_wait3A_467] : memref<26x16384xi32, #tpu.memory_space<hbm>> -> memref<1x8192xi32, #tpu.memory_space<hbm>>
      %dma_wait3A_469 = tpu.memref_squeeze %dma_wait3A_468 : memref<1x8192xi32, #tpu.memory_space<hbm>> -> memref<8192xi32, #tpu.memory_space<hbm>>
      tpu.wait_dma2 semaphore(%arg15 : memref<!tpu.dma_semaphore, #tpu.memory_space<semaphore_mem>>) src(%dma_wait3A_469 : memref<8192xi32, #tpu.memory_space<hbm>>) dst(%arg7 : memref<8192xi32, #tpu.memory_space<vmem>>)
      %parallel_loop3A_470 = arith.constant 0 : i32
      %parallel_loop3A_471 = arith.constant 512 : i32
      %parallel_loop3A_472 = arith.constant 1 : i32
      scf.for %parallel_loop3A_473 = %parallel_loop3A_470 to %parallel_loop3A_471 step %parallel_loop3A_472  : i32 {
        %parallel_loop3A_474 = arith.constant 16 : i32
        %parallel_loop3A_475 = arith.muli %parallel_loop3A_473, %parallel_loop3A_474 : i32
        %parallel_loop3A_476 = arith.index_cast %parallel_loop3A_475 : i32 to index
        %parallel_loop3A_477 = tpu.vector_load %arg7[%parallel_loop3A_476] {strides = array<i32>} : memref<8192xi32, #tpu.memory_space<vmem>>, vector<16xi32>,
        %parallel_loop3A_478 = vector.broadcast %mul3A_455 : i32 to vector<16xi32>
        %parallel_loop3A_479 = arith.addi %parallel_loop3A_477, %parallel_loop3A_478 : vector<16xi32>
        %parallel_loop3A_480 = tpu.vector_load_idx %arg5[%parallel_loop3A_479] : memref<40064xf32, #tpu.memory_space<vmem>>[vector<16xi32>], vector<16xf32>,
        %parallel_loop3A_481 = arith.index_cast %parallel_loop3A_475 : i32 to index
        %parallel_loop3A_482 = tpu.vector_load %arg9[%parallel_loop3A_481] {strides = array<i32>} : memref<8192xf32, #tpu.memory_space<vmem>>, vector<16xf32>,
        tpu.vector_store %arg9[%parallel_loop3A_481], %parallel_loop3A_480 {strides = array<i32>} : memref<8192xf32, #tpu.memory_space<vmem>>, vector<16xf32>,
      } {sc.loop_unroll_factor = 8 : i64, sc.parallel_access}
    } else {
    }
    %add3A_17 = arith.constant 16 : i32
    %add3A_18 = arith.addi %arg1, %add3A_17 : i32
    %lt3A_19 = arith.constant 26 : i32
    %lt3A_20 = arith.cmpi slt, %add3A_18, %lt3A_19 : i32
    %convert_element_type3A_21 = arith.extui %lt3A_20 : i1 to i32
    %cond3A_22 = arith.constant 0 : i32
    %cond3A_23 = arith.cmpi ne, %convert_element_type3A_21, %cond3A_22 : i32
    scf.if %cond3A_23 {
      %jit3A = arith.constant 2 : i32
      %eq3A = arith.constant 0 : i32
      %eq3A_444 = arith.cmpi eq, %jit3A, %eq3A : i32
      %jit3A_445 = arith.constant 1 : i32
      %select_n3A = arith.select %eq3A_444, %jit3A_445, %jit3A : i32
      %rem3A = arith.remsi %add3A_18, %select_n3A : i32
      %ne3A = arith.constant 0 : i32
      %ne3A_446 = arith.cmpi ne, %rem3A, %ne3A : i32
      %lt3A_447 = arith.constant 0 : i32
      %lt3A_448 = arith.cmpi slt, %rem3A, %lt3A_447 : i32
      %lt3A_449 = arith.constant 0 : i32
      %lt3A_450 = arith.cmpi slt, %select_n3A, %lt3A_449 : i32
      %ne3A_451 = arith.xori %lt3A_448, %lt3A_450 : i1
      %and3A = arith.andi %ne3A_451, %ne3A_446 : i1
      %add3A_452 = arith.addi %rem3A, %select_n3A : i32
      %select_n3A_453 = arith.select %and3A, %add3A_452, %rem3A : i32
      %mul3A_454 = arith.constant 64 : i32
      %mul3A_455 = arith.muli %select_n3A_453, %mul3A_454 : i32
      %dma_wait3A_456 = arith.constant 0 : i32
      %dma_wait3A_457 = arith.constant 0 : i32
      %dma_wait3A_458 = tpu.memref_slice %arg3[%dma_wait3A_456, %dma_wait3A_457] : memref<1x1040000xf32, #tpu.memory_space<hbm>> -> memref<1x40064xf32, #tpu.memory_space<hbm>>
      %dma_wait3A_459 = tpu.memref_squeeze %dma_wait3A_458 : memref<1x40064xf32, #tpu.memory_space<hbm>> -> memref<40064xf32, #tpu.memory_space<hbm>>
      %dma_wait3A_460 = arith.constant 0 : i32
      %dma_wait3A_461 = tpu.memref_slice %arg3[%dma_wait3A_456, %dma_wait3A_460] : memref<1x1040000xf32, #tpu.memory_space<hbm>> -> memref<1x40064xf32, #tpu.memory_space<hbm>>
      %dma_wait3A_462 = tpu.memref_squeeze %dma_wait3A_461 : memref<1x40064xf32, #tpu.memory_space<hbm>> -> memref<40064xf32, #tpu.memory_space<hbm>>
      tpu.wait_dma2 semaphore(%arg14 : memref<!tpu.dma_semaphore, #tpu.memory_space<semaphore_mem>>) src(%dma_wait3A_462 : memref<40064xf32, #tpu.memory_space<hbm>>) dst(%arg6 : memref<40064xf32, #tpu.memory_space<vmem>>)
      %dma_wait3A_463 = arith.constant 0 : i32
      %dma_wait3A_464 = arith.constant 0 : i32
      %dma_wait3A_465 = tpu.memref_slice %arg2[%dma_wait3A_463, %dma_wait3A_464] : memref<26x16384xi32, #tpu.memory_space<hbm>> -> memref<1x8192xi32, #tpu.memory_space<hbm>>
      %dma_wait3A_466 = tpu.memref_squeeze %dma_wait3A_465 : memref<1x8192xi32, #tpu.memory_space<hbm>> -> memref<8192xi32, #tpu.memory_space<hbm>>
      %dma_wait3A_467 = arith.constant 0 : i32
      %dma_wait3A_468 = tpu.memref_slice %arg2[%dma_wait3A_463, %dma_wait3A_467] : memref<26x16384xi32, #tpu.memory_space<hbm>> -> memref<1x8192xi32, #tpu.memory_space<hbm>>
      %dma_wait3A_469 = tpu.memref_squeeze %dma_wait3A_468 : memref<1x8192xi32, #tpu.memory_space<hbm>> -> memref<8192xi32, #tpu.memory_space<hbm>>
      tpu.wait_dma2 semaphore(%arg16 : memref<!tpu.dma_semaphore, #tpu.memory_space<semaphore_mem>>) src(%dma_wait3A_469 : memref<8192xi32, #tpu.memory_space<hbm>>) dst(%arg8 : memref<8192xi32, #tpu.memory_space<vmem>>)
      %parallel_loop3A_470 = arith.constant 0 : i32
      %parallel_loop3A_471 = arith.constant 512 : i32
      %parallel_loop3A_472 = arith.constant 1 : i32
      scf.for %parallel_loop3A_473 = %parallel_loop3A_470 to %parallel_loop3A_471 step %parallel_loop3A_472  : i32 {
        %parallel_loop3A_474 = arith.constant 16 : i32
        %parallel_loop3A_475 = arith.muli %parallel_loop3A_473, %parallel_loop3A_474 : i32
        %parallel_loop3A_476 = arith.index_cast %parallel_loop3A_475 : i32 to index
        %parallel_loop3A_477 = tpu.vector_load %arg8[%parallel_loop3A_476] {strides = array<i32>} : memref<8192xi32, #tpu.memory_space<vmem>>, vector<16xi32>,
        %parallel_loop3A_478 = vector.broadcast %mul3A_455 : i32 to vector<16xi32>
        %parallel_loop3A_479 = arith.addi %parallel_loop3A_477, %parallel_loop3A_478 : vector<16xi32>
        %parallel_loop3A_480 = tpu.vector_load_idx %arg6[%parallel_loop3A_479] : memref<40064xf32, #tpu.memory_space<vmem>>[vector<16xi32>], vector<16xf32>,
        %parallel_loop3A_481 = arith.index_cast %parallel_loop3A_475 : i32 to index
        %parallel_loop3A_482 = tpu.vector_load %arg9[%parallel_loop3A_481] {strides = array<i32>} : memref<8192xf32, #tpu.memory_space<vmem>>, vector<16xf32>,
        %parallel_loop3A_483 = arith.addf %parallel_loop3A_482, %parallel_loop3A_480 : vector<16xf32>
        %parallel_loop3A_484 = arith.index_cast %parallel_loop3A_475 : i32 to index
        %parallel_loop3A_485 = tpu.vector_load %arg9[%parallel_loop3A_484] {strides = array<i32>} : memref<8192xf32, #tpu.memory_space<vmem>>, vector<16xf32>,
        tpu.vector_store %arg9[%parallel_loop3A_484], %parallel_loop3A_483 {strides = array<i32>} : memref<8192xf32, #tpu.memory_space<vmem>>, vector<16xf32>,
      } {sc.loop_unroll_factor = 8 : i64, sc.parallel_access}
    } else {
    }
    "tpu.region"() ({
      %run_scoped3A = tpu.sem_alloc : memref<!tpu.dma_semaphore, #tpu.memory_space<semaphore_mem>>
      %dma_start3A_444 = arith.constant 0 : i32
      %dma_start3A_445 = tpu.memref_slice %arg12[%arg1, %dma_start3A_444] : memref<16x8192xf32, #tpu.memory_space<vmem_shared>> -> memref<1x8192xf32, #tpu.memory_space<vmem_shared>>
      %dma_start3A_446 = tpu.memref_squeeze %dma_start3A_445 : memref<1x8192xf32, #tpu.memory_space<vmem_shared>> -> memref<8192xf32, #tpu.memory_space<vmem_shared>>
      %dma_start3A_447 = arith.constant 0 : i32
      %dma_start3A_448 = tpu.memref_slice %arg12[%arg1, %dma_start3A_447] : memref<16x8192xf32, #tpu.memory_space<vmem_shared>> -> memref<1x8192xf32, #tpu.memory_space<vmem_shared>>
      %dma_start3A_449 = tpu.memref_squeeze %dma_start3A_448 : memref<1x8192xf32, #tpu.memory_space<vmem_shared>> -> memref<8192xf32, #tpu.memory_space<vmem_shared>>
      tpu.enqueue_dma source(%arg9 : memref<8192xf32, #tpu.memory_space<vmem>>) target(%dma_start3A_449 : memref<8192xf32, #tpu.memory_space<vmem_shared>>) target_semaphore(%run_scoped3A : memref<!tpu.dma_semaphore, #tpu.memory_space<semaphore_mem>>)
      %dma_wait3A_450 = arith.constant 0 : i32
      %dma_wait3A_451 = tpu.memref_slice %arg12[%arg1, %dma_wait3A_450] : memref<16x8192xf32, #tpu.memory_space<vmem_shared>> -> memref<1x8192xf32, #tpu.memory_space<vmem_shared>>
      %dma_wait3A_452 = tpu.memref_squeeze %dma_wait3A_451 : memref<1x8192xf32, #tpu.memory_space<vmem_shared>> -> memref<8192xf32, #tpu.memory_space<vmem_shared>>
      %dma_wait3A_453 = arith.constant 0 : i32
      %dma_wait3A_454 = tpu.memref_slice %arg12[%arg1, %dma_wait3A_453] : memref<16x8192xf32, #tpu.memory_space<vmem_shared>> -> memref<1x8192xf32, #tpu.memory_space<vmem_shared>>
      %dma_wait3A_455 = tpu.memref_squeeze %dma_wait3A_454 : memref<1x8192xf32, #tpu.memory_space<vmem_shared>> -> memref<8192xf32, #tpu.memory_space<vmem_shared>>
      tpu.wait_dma2 semaphore(%run_scoped3A : memref<!tpu.dma_semaphore, #tpu.memory_space<semaphore_mem>>) src(%arg9 : memref<8192xf32, #tpu.memory_space<vmem>>) dst(%dma_wait3A_455 : memref<8192xf32, #tpu.memory_space<vmem_shared>>)
      tpu.yield
    }) : () -> ()
    %barrier3A = arith.constant 0 : index
    tpu.barrier barrier_id(%barrier3A)
    %mul3A = arith.constant 512 : i32
    %mul3A_24 = arith.muli %arg1, %mul3A : i32
    %dma_start3A = arith.constant 0 : i32
    %dma_start3A_25 = arith.constant 0 : i32
    %dma_start3A_26 = arith.constant 0 : i32
    %dma_start3A_27 = tpu.memref_slice %arg10[%dma_start3A_25, %dma_start3A_26] : memref<16x512xf32, #tpu.memory_space<vmem>> -> memref<1x512xf32, #tpu.memory_space<vmem>>
    %dma_start3A_28 = tpu.memref_squeeze %dma_start3A_27 : memref<1x512xf32, #tpu.memory_space<vmem>> -> memref<512xf32, #tpu.memory_space<vmem>>
    %dma_start3A_29 = tpu.memref_slice %arg12[%dma_start3A, %mul3A_24] : memref<16x8192xf32, #tpu.memory_space<vmem_shared>> -> memref<1x512xf32, #tpu.memory_space<vmem_shared>>
    %dma_start3A_30 = tpu.memref_squeeze %dma_start3A_29 : memref<1x512xf32, #tpu.memory_space<vmem_shared>> -> memref<512xf32, #tpu.memory_space<vmem_shared>>
    %dma_start3A_31 = arith.constant 0 : i32
    %dma_start3A_32 = tpu.memref_slice %arg10[%dma_start3A_25, %dma_start3A_31] : memref<16x512xf32, #tpu.memory_space<vmem>> -> memref<1x512xf32, #tpu.memory_space<vmem>>
    %dma_start3A_33 = tpu.memref_squeeze %dma_start3A_32 : memref<1x512xf32, #tpu.memory_space<vmem>> -> memref<512xf32, #tpu.memory_space<vmem>>
    %dma_start3A_34 = tpu.memref_slice %arg12[%dma_start3A, %mul3A_24] : memref<16x8192xf32, #tpu.memory_space<vmem_shared>> -> memref<1x512xf32, #tpu.memory_space<vmem_shared>>
    %dma_start3A_35 = tpu.memref_squeeze %dma_start3A_34 : memref<1x512xf32, #tpu.memory_space<vmem_shared>> -> memref<512xf32, #tpu.memory_space<vmem_shared>>
    tpu.enqueue_dma source(%dma_start3A_35 : memref<512xf32, #tpu.memory_space<vmem_shared>>) target(%dma_start3A_33 : memref<512xf32, #tpu.memory_space<vmem>>) target_semaphore(%arg17 : memref<!tpu.dma_semaphore, #tpu.memory_space<semaphore_mem>>)
    %mul3A_36 = arith.constant 512 : i32
    %mul3A_37 = arith.muli %arg1, %mul3A_36 : i32
    %dma_start3A_38 = arith.constant 1 : i32
    %dma_start3A_39 = arith.constant 1 : i32
    %dma_start3A_40 = arith.constant 0 : i32
    %dma_start3A_41 = tpu.memref_slice %arg10[%dma_start3A_39, %dma_start3A_40] : memref<16x512xf32, #tpu.memory_space<vmem>> -> memref<1x512xf32, #tpu.memory_space<vmem>>
    %dma_start3A_42 = tpu.memref_squeeze %dma_start3A_41 : memref<1x512xf32, #tpu.memory_space<vmem>> -> memref<512xf32, #tpu.memory_space<vmem>>
    %dma_start3A_43 = tpu.memref_slice %arg12[%dma_start3A_38, %mul3A_37] : memref<16x8192xf32, #tpu.memory_space<vmem_shared>> -> memref<1x512xf32, #tpu.memory_space<vmem_shared>>
    %dma_start3A_44 = tpu.memref_squeeze %dma_start3A_43 : memref<1x512xf32, #tpu.memory_space<vmem_shared>> -> memref<512xf32, #tpu.memory_space<vmem_shared>>
    %dma_start3A_45 = arith.constant 0 : i32
    %dma_start3A_46 = tpu.memref_slice %arg10[%dma_start3A_39, %dma_start3A_45] : memref<16x512xf32, #tpu.memory_space<vmem>> -> memref<1x512xf32, #tpu.memory_space<vmem>>
    %dma_start3A_47 = tpu.memref_squeeze %dma_start3A_46 : memref<1x512xf32, #tpu.memory_space<vmem>> -> memref<512xf32, #tpu.memory_space<vmem>>
    %dma_start3A_48 = tpu.memref_slice %arg12[%dma_start3A_38, %mul3A_37] : memref<16x8192xf32, #tpu.memory_space<vmem_shared>> -> memref<1x512xf32, #tpu.memory_space<vmem_shared>>
    %dma_start3A_49 = tpu.memref_squeeze %dma_start3A_48 : memref<1x512xf32, #tpu.memory_space<vmem_shared>> -> memref<512xf32, #tpu.memory_space<vmem_shared>>
    tpu.enqueue_dma source(%dma_start3A_49 : memref<512xf32, #tpu.memory_space<vmem_shared>>) target(%dma_start3A_47 : memref<512xf32, #tpu.memory_space<vmem>>) target_semaphore(%arg17 : memref<!tpu.dma_semaphore, #tpu.memory_space<semaphore_mem>>)
    %mul3A_50 = arith.constant 512 : i32
    %mul3A_51 = arith.muli %arg1, %mul3A_50 : i32
    %dma_start3A_52 = arith.constant 2 : i32
    %dma_start3A_53 = arith.constant 2 : i32
    %dma_start3A_54 = arith.constant 0 : i32
    %dma_start3A_55 = tpu.memref_slice %arg10[%dma_start3A_53, %dma_start3A_54] : memref<16x512xf32, #tpu.memory_space<vmem>> -> memref<1x512xf32, #tpu.memory_space<vmem>>
    %dma_start3A_56 = tpu.memref_squeeze %dma_start3A_55 : memref<1x512xf32, #tpu.memory_space<vmem>> -> memref<512xf32, #tpu.memory_space<vmem>>
    %dma_start3A_57 = tpu.memref_slice %arg12[%dma_start3A_52, %mul3A_51] : memref<16x8192xf32, #tpu.memory_space<vmem_shared>> -> memref<1x512xf32, #tpu.memory_space<vmem_shared>>
    %dma_start3A_58 = tpu.memref_squeeze %dma_start3A_57 : memref<1x512xf32, #tpu.memory_space<vmem_shared>> -> memref<512xf32, #tpu.memory_space<vmem_shared>>
    %dma_start3A_59 = arith.constant 0 : i32
    %dma_start3A_60 = tpu.memref_slice %arg10[%dma_start3A_53, %dma_start3A_59] : memref<16x512xf32, #tpu.memory_space<vmem>> -> memref<1x512xf32, #tpu.memory_space<vmem>>
    %dma_start3A_61 = tpu.memref_squeeze %dma_start3A_60 : memref<1x512xf32, #tpu.memory_space<vmem>> -> memref<512xf32, #tpu.memory_space<vmem>>
    %dma_start3A_62 = tpu.memref_slice %arg12[%dma_start3A_52, %mul3A_51] : memref<16x8192xf32, #tpu.memory_space<vmem_shared>> -> memref<1x512xf32, #tpu.memory_space<vmem_shared>>
    %dma_start3A_63 = tpu.memref_squeeze %dma_start3A_62 : memref<1x512xf32, #tpu.memory_space<vmem_shared>> -> memref<512xf32, #tpu.memory_space<vmem_shared>>
    tpu.enqueue_dma source(%dma_start3A_63 : memref<512xf32, #tpu.memory_space<vmem_shared>>) target(%dma_start3A_61 : memref<512xf32, #tpu.memory_space<vmem>>) target_semaphore(%arg17 : memref<!tpu.dma_semaphore, #tpu.memory_space<semaphore_mem>>)
    %mul3A_64 = arith.constant 512 : i32
    %mul3A_65 = arith.muli %arg1, %mul3A_64 : i32
    %dma_start3A_66 = arith.constant 3 : i32
    %dma_start3A_67 = arith.constant 3 : i32
    %dma_start3A_68 = arith.constant 0 : i32
    %dma_start3A_69 = tpu.memref_slice %arg10[%dma_start3A_67, %dma_start3A_68] : memref<16x512xf32, #tpu.memory_space<vmem>> -> memref<1x512xf32, #tpu.memory_space<vmem>>
    %dma_start3A_70 = tpu.memref_squeeze %dma_start3A_69 : memref<1x512xf32, #tpu.memory_space<vmem>> -> memref<512xf32, #tpu.memory_space<vmem>>
    %dma_start3A_71 = tpu.memref_slice %arg12[%dma_start3A_66, %mul3A_65] : memref<16x8192xf32, #tpu.memory_space<vmem_shared>> -> memref<1x512xf32, #tpu.memory_space<vmem_shared>>
    %dma_start3A_72 = tpu.memref_squeeze %dma_start3A_71 : memref<1x512xf32, #tpu.memory_space<vmem_shared>> -> memref<512xf32, #tpu.memory_space<vmem_shared>>
    %dma_start3A_73 = arith.constant 0 : i32
    %dma_start3A_74 = tpu.memref_slice %arg10[%dma_start3A_67, %dma_start3A_73] : memref<16x512xf32, #tpu.memory_space<vmem>> -> memref<1x512xf32, #tpu.memory_space<vmem>>
    %dma_start3A_75 = tpu.memref_squeeze %dma_start3A_74 : memref<1x512xf32, #tpu.memory_space<vmem>> -> memref<512xf32, #tpu.memory_space<vmem>>
    %dma_start3A_76 = tpu.memref_slice %arg12[%dma_start3A_66, %mul3A_65] : memref<16x8192xf32, #tpu.memory_space<vmem_shared>> -> memref<1x512xf32, #tpu.memory_space<vmem_shared>>
    %dma_start3A_77 = tpu.memref_squeeze %dma_start3A_76 : memref<1x512xf32, #tpu.memory_space<vmem_shared>> -> memref<512xf32, #tpu.memory_space<vmem_shared>>
    tpu.enqueue_dma source(%dma_start3A_77 : memref<512xf32, #tpu.memory_space<vmem_shared>>) target(%dma_start3A_75 : memref<512xf32, #tpu.memory_space<vmem>>) target_semaphore(%arg17 : memref<!tpu.dma_semaphore, #tpu.memory_space<semaphore_mem>>)
    %mul3A_78 = arith.constant 512 : i32
    %mul3A_79 = arith.muli %arg1, %mul3A_78 : i32
    %dma_start3A_80 = arith.constant 4 : i32
    %dma_start3A_81 = arith.constant 4 : i32
    %dma_start3A_82 = arith.constant 0 : i32
    %dma_start3A_83 = tpu.memref_slice %arg10[%dma_start3A_81, %dma_start3A_82] : memref<16x512xf32, #tpu.memory_space<vmem>> -> memref<1x512xf32, #tpu.memory_space<vmem>>
    %dma_start3A_84 = tpu.memref_squeeze %dma_start3A_83 : memref<1x512xf32, #tpu.memory_space<vmem>> -> memref<512xf32, #tpu.memory_space<vmem>>
    %dma_start3A_85 = tpu.memref_slice %arg12[%dma_start3A_80, %mul3A_79] : memref<16x8192xf32, #tpu.memory_space<vmem_shared>> -> memref<1x512xf32, #tpu.memory_space<vmem_shared>>
    %dma_start3A_86 = tpu.memref_squeeze %dma_start3A_85 : memref<1x512xf32, #tpu.memory_space<vmem_shared>> -> memref<512xf32, #tpu.memory_space<vmem_shared>>
    %dma_start3A_87 = arith.constant 0 : i32
    %dma_start3A_88 = tpu.memref_slice %arg10[%dma_start3A_81, %dma_start3A_87] : memref<16x512xf32, #tpu.memory_space<vmem>> -> memref<1x512xf32, #tpu.memory_space<vmem>>
    %dma_start3A_89 = tpu.memref_squeeze %dma_start3A_88 : memref<1x512xf32, #tpu.memory_space<vmem>> -> memref<512xf32, #tpu.memory_space<vmem>>
    %dma_start3A_90 = tpu.memref_slice %arg12[%dma_start3A_80, %mul3A_79] : memref<16x8192xf32, #tpu.memory_space<vmem_shared>> -> memref<1x512xf32, #tpu.memory_space<vmem_shared>>
    %dma_start3A_91 = tpu.memref_squeeze %dma_start3A_90 : memref<1x512xf32, #tpu.memory_space<vmem_shared>> -> memref<512xf32, #tpu.memory_space<vmem_shared>>
    tpu.enqueue_dma source(%dma_start3A_91 : memref<512xf32, #tpu.memory_space<vmem_shared>>) target(%dma_start3A_89 : memref<512xf32, #tpu.memory_space<vmem>>) target_semaphore(%arg17 : memref<!tpu.dma_semaphore, #tpu.memory_space<semaphore_mem>>)
    %mul3A_92 = arith.constant 512 : i32
    %mul3A_93 = arith.muli %arg1, %mul3A_92 : i32
    %dma_start3A_94 = arith.constant 5 : i32
    %dma_start3A_95 = arith.constant 5 : i32
    %dma_start3A_96 = arith.constant 0 : i32
    %dma_start3A_97 = tpu.memref_slice %arg10[%dma_start3A_95, %dma_start3A_96] : memref<16x512xf32, #tpu.memory_space<vmem>> -> memref<1x512xf32, #tpu.memory_space<vmem>>
    %dma_start3A_98 = tpu.memref_squeeze %dma_start3A_97 : memref<1x512xf32, #tpu.memory_space<vmem>> -> memref<512xf32, #tpu.memory_space<vmem>>
    %dma_start3A_99 = tpu.memref_slice %arg12[%dma_start3A_94, %mul3A_93] : memref<16x8192xf32, #tpu.memory_space<vmem_shared>> -> memref<1x512xf32, #tpu.memory_space<vmem_shared>>
    %dma_start3A_100 = tpu.memref_squeeze %dma_start3A_99 : memref<1x512xf32, #tpu.memory_space<vmem_shared>> -> memref<512xf32, #tpu.memory_space<vmem_shared>>
    %dma_start3A_101 = arith.constant 0 : i32
    %dma_start3A_102 = tpu.memref_slice %arg10[%dma_start3A_95, %dma_start3A_101] : memref<16x512xf32, #tpu.memory_space<vmem>> -> memref<1x512xf32, #tpu.memory_space<vmem>>
    %dma_start3A_103 = tpu.memref_squeeze %dma_start3A_102 : memref<1x512xf32, #tpu.memory_space<vmem>> -> memref<512xf32, #tpu.memory_space<vmem>>
    %dma_start3A_104 = tpu.memref_slice %arg12[%dma_start3A_94, %mul3A_93] : memref<16x8192xf32, #tpu.memory_space<vmem_shared>> -> memref<1x512xf32, #tpu.memory_space<vmem_shared>>
    %dma_start3A_105 = tpu.memref_squeeze %dma_start3A_104 : memref<1x512xf32, #tpu.memory_space<vmem_shared>> -> memref<512xf32, #tpu.memory_space<vmem_shared>>
    tpu.enqueue_dma source(%dma_start3A_105 : memref<512xf32, #tpu.memory_space<vmem_shared>>) target(%dma_start3A_103 : memref<512xf32, #tpu.memory_space<vmem>>) target_semaphore(%arg17 : memref<!tpu.dma_semaphore, #tpu.memory_space<semaphore_mem>>)
    %mul3A_106 = arith.constant 512 : i32
    %mul3A_107 = arith.muli %arg1, %mul3A_106 : i32
    %dma_start3A_108 = arith.constant 6 : i32
    %dma_start3A_109 = arith.constant 6 : i32
    %dma_start3A_110 = arith.constant 0 : i32
    %dma_start3A_111 = tpu.memref_slice %arg10[%dma_start3A_109, %dma_start3A_110] : memref<16x512xf32, #tpu.memory_space<vmem>> -> memref<1x512xf32, #tpu.memory_space<vmem>>
    %dma_start3A_112 = tpu.memref_squeeze %dma_start3A_111 : memref<1x512xf32, #tpu.memory_space<vmem>> -> memref<512xf32, #tpu.memory_space<vmem>>
    %dma_start3A_113 = tpu.memref_slice %arg12[%dma_start3A_108, %mul3A_107] : memref<16x8192xf32, #tpu.memory_space<vmem_shared>> -> memref<1x512xf32, #tpu.memory_space<vmem_shared>>
    %dma_start3A_114 = tpu.memref_squeeze %dma_start3A_113 : memref<1x512xf32, #tpu.memory_space<vmem_shared>> -> memref<512xf32, #tpu.memory_space<vmem_shared>>
    %dma_start3A_115 = arith.constant 0 : i32
    %dma_start3A_116 = tpu.memref_slice %arg10[%dma_start3A_109, %dma_start3A_115] : memref<16x512xf32, #tpu.memory_space<vmem>> -> memref<1x512xf32, #tpu.memory_space<vmem>>
    %dma_start3A_117 = tpu.memref_squeeze %dma_start3A_116 : memref<1x512xf32, #tpu.memory_space<vmem>> -> memref<512xf32, #tpu.memory_space<vmem>>
    %dma_start3A_118 = tpu.memref_slice %arg12[%dma_start3A_108, %mul3A_107] : memref<16x8192xf32, #tpu.memory_space<vmem_shared>> -> memref<1x512xf32, #tpu.memory_space<vmem_shared>>
    %dma_start3A_119 = tpu.memref_squeeze %dma_start3A_118 : memref<1x512xf32, #tpu.memory_space<vmem_shared>> -> memref<512xf32, #tpu.memory_space<vmem_shared>>
    tpu.enqueue_dma source(%dma_start3A_119 : memref<512xf32, #tpu.memory_space<vmem_shared>>) target(%dma_start3A_117 : memref<512xf32, #tpu.memory_space<vmem>>) target_semaphore(%arg17 : memref<!tpu.dma_semaphore, #tpu.memory_space<semaphore_mem>>)
    %mul3A_120 = arith.constant 512 : i32
    %mul3A_121 = arith.muli %arg1, %mul3A_120 : i32
    %dma_start3A_122 = arith.constant 7 : i32
    %dma_start3A_123 = arith.constant 7 : i32
    %dma_start3A_124 = arith.constant 0 : i32
    %dma_start3A_125 = tpu.memref_slice %arg10[%dma_start3A_123, %dma_start3A_124] : memref<16x512xf32, #tpu.memory_space<vmem>> -> memref<1x512xf32, #tpu.memory_space<vmem>>
    %dma_start3A_126 = tpu.memref_squeeze %dma_start3A_125 : memref<1x512xf32, #tpu.memory_space<vmem>> -> memref<512xf32, #tpu.memory_space<vmem>>
    %dma_start3A_127 = tpu.memref_slice %arg12[%dma_start3A_122, %mul3A_121] : memref<16x8192xf32, #tpu.memory_space<vmem_shared>> -> memref<1x512xf32, #tpu.memory_space<vmem_shared>>
    %dma_start3A_128 = tpu.memref_squeeze %dma_start3A_127 : memref<1x512xf32, #tpu.memory_space<vmem_shared>> -> memref<512xf32, #tpu.memory_space<vmem_shared>>
    %dma_start3A_129 = arith.constant 0 : i32
    %dma_start3A_130 = tpu.memref_slice %arg10[%dma_start3A_123, %dma_start3A_129] : memref<16x512xf32, #tpu.memory_space<vmem>> -> memref<1x512xf32, #tpu.memory_space<vmem>>
    %dma_start3A_131 = tpu.memref_squeeze %dma_start3A_130 : memref<1x512xf32, #tpu.memory_space<vmem>> -> memref<512xf32, #tpu.memory_space<vmem>>
    %dma_start3A_132 = tpu.memref_slice %arg12[%dma_start3A_122, %mul3A_121] : memref<16x8192xf32, #tpu.memory_space<vmem_shared>> -> memref<1x512xf32, #tpu.memory_space<vmem_shared>>
    %dma_start3A_133 = tpu.memref_squeeze %dma_start3A_132 : memref<1x512xf32, #tpu.memory_space<vmem_shared>> -> memref<512xf32, #tpu.memory_space<vmem_shared>>
    tpu.enqueue_dma source(%dma_start3A_133 : memref<512xf32, #tpu.memory_space<vmem_shared>>) target(%dma_start3A_131 : memref<512xf32, #tpu.memory_space<vmem>>) target_semaphore(%arg17 : memref<!tpu.dma_semaphore, #tpu.memory_space<semaphore_mem>>)
    %mul3A_134 = arith.constant 512 : i32
    %mul3A_135 = arith.muli %arg1, %mul3A_134 : i32
    %dma_start3A_136 = arith.constant 8 : i32
    %dma_start3A_137 = arith.constant 8 : i32
    %dma_start3A_138 = arith.constant 0 : i32
    %dma_start3A_139 = tpu.memref_slice %arg10[%dma_start3A_137, %dma_start3A_138] : memref<16x512xf32, #tpu.memory_space<vmem>> -> memref<1x512xf32, #tpu.memory_space<vmem>>
    %dma_start3A_140 = tpu.memref_squeeze %dma_start3A_139 : memref<1x512xf32, #tpu.memory_space<vmem>> -> memref<512xf32, #tpu.memory_space<vmem>>
    %dma_start3A_141 = tpu.memref_slice %arg12[%dma_start3A_136, %mul3A_135] : memref<16x8192xf32, #tpu.memory_space<vmem_shared>> -> memref<1x512xf32, #tpu.memory_space<vmem_shared>>
    %dma_start3A_142 = tpu.memref_squeeze %dma_start3A_141 : memref<1x512xf32, #tpu.memory_space<vmem_shared>> -> memref<512xf32, #tpu.memory_space<vmem_shared>>
    %dma_start3A_143 = arith.constant 0 : i32
    %dma_start3A_144 = tpu.memref_slice %arg10[%dma_start3A_137, %dma_start3A_143] : memref<16x512xf32, #tpu.memory_space<vmem>> -> memref<1x512xf32, #tpu.memory_space<vmem>>
    %dma_start3A_145 = tpu.memref_squeeze %dma_start3A_144 : memref<1x512xf32, #tpu.memory_space<vmem>> -> memref<512xf32, #tpu.memory_space<vmem>>
    %dma_start3A_146 = tpu.memref_slice %arg12[%dma_start3A_136, %mul3A_135] : memref<16x8192xf32, #tpu.memory_space<vmem_shared>> -> memref<1x512xf32, #tpu.memory_space<vmem_shared>>
    %dma_start3A_147 = tpu.memref_squeeze %dma_start3A_146 : memref<1x512xf32, #tpu.memory_space<vmem_shared>> -> memref<512xf32, #tpu.memory_space<vmem_shared>>
    tpu.enqueue_dma source(%dma_start3A_147 : memref<512xf32, #tpu.memory_space<vmem_shared>>) target(%dma_start3A_145 : memref<512xf32, #tpu.memory_space<vmem>>) target_semaphore(%arg17 : memref<!tpu.dma_semaphore, #tpu.memory_space<semaphore_mem>>)
    %mul3A_148 = arith.constant 512 : i32
    %mul3A_149 = arith.muli %arg1, %mul3A_148 : i32
    %dma_start3A_150 = arith.constant 9 : i32
    %dma_start3A_151 = arith.constant 9 : i32
    %dma_start3A_152 = arith.constant 0 : i32
    %dma_start3A_153 = tpu.memref_slice %arg10[%dma_start3A_151, %dma_start3A_152] : memref<16x512xf32, #tpu.memory_space<vmem>> -> memref<1x512xf32, #tpu.memory_space<vmem>>
    %dma_start3A_154 = tpu.memref_squeeze %dma_start3A_153 : memref<1x512xf32, #tpu.memory_space<vmem>> -> memref<512xf32, #tpu.memory_space<vmem>>
    %dma_start3A_155 = tpu.memref_slice %arg12[%dma_start3A_150, %mul3A_149] : memref<16x8192xf32, #tpu.memory_space<vmem_shared>> -> memref<1x512xf32, #tpu.memory_space<vmem_shared>>
    %dma_start3A_156 = tpu.memref_squeeze %dma_start3A_155 : memref<1x512xf32, #tpu.memory_space<vmem_shared>> -> memref<512xf32, #tpu.memory_space<vmem_shared>>
    %dma_start3A_157 = arith.constant 0 : i32
    %dma_start3A_158 = tpu.memref_slice %arg10[%dma_start3A_151, %dma_start3A_157] : memref<16x512xf32, #tpu.memory_space<vmem>> -> memref<1x512xf32, #tpu.memory_space<vmem>>
    %dma_start3A_159 = tpu.memref_squeeze %dma_start3A_158 : memref<1x512xf32, #tpu.memory_space<vmem>> -> memref<512xf32, #tpu.memory_space<vmem>>
    %dma_start3A_160 = tpu.memref_slice %arg12[%dma_start3A_150, %mul3A_149] : memref<16x8192xf32, #tpu.memory_space<vmem_shared>> -> memref<1x512xf32, #tpu.memory_space<vmem_shared>>
    %dma_start3A_161 = tpu.memref_squeeze %dma_start3A_160 : memref<1x512xf32, #tpu.memory_space<vmem_shared>> -> memref<512xf32, #tpu.memory_space<vmem_shared>>
    tpu.enqueue_dma source(%dma_start3A_161 : memref<512xf32, #tpu.memory_space<vmem_shared>>) target(%dma_start3A_159 : memref<512xf32, #tpu.memory_space<vmem>>) target_semaphore(%arg17 : memref<!tpu.dma_semaphore, #tpu.memory_space<semaphore_mem>>)
    %mul3A_162 = arith.constant 512 : i32
    %mul3A_163 = arith.muli %arg1, %mul3A_162 : i32
    %dma_start3A_164 = arith.constant 10 : i32
    %dma_start3A_165 = arith.constant 10 : i32
    %dma_start3A_166 = arith.constant 0 : i32
    %dma_start3A_167 = tpu.memref_slice %arg10[%dma_start3A_165, %dma_start3A_166] : memref<16x512xf32, #tpu.memory_space<vmem>> -> memref<1x512xf32, #tpu.memory_space<vmem>>
    %dma_start3A_168 = tpu.memref_squeeze %dma_start3A_167 : memref<1x512xf32, #tpu.memory_space<vmem>> -> memref<512xf32, #tpu.memory_space<vmem>>
    %dma_start3A_169 = tpu.memref_slice %arg12[%dma_start3A_164, %mul3A_163] : memref<16x8192xf32, #tpu.memory_space<vmem_shared>> -> memref<1x512xf32, #tpu.memory_space<vmem_shared>>
    %dma_start3A_170 = tpu.memref_squeeze %dma_start3A_169 : memref<1x512xf32, #tpu.memory_space<vmem_shared>> -> memref<512xf32, #tpu.memory_space<vmem_shared>>
    %dma_start3A_171 = arith.constant 0 : i32
    %dma_start3A_172 = tpu.memref_slice %arg10[%dma_start3A_165, %dma_start3A_171] : memref<16x512xf32, #tpu.memory_space<vmem>> -> memref<1x512xf32, #tpu.memory_space<vmem>>
    %dma_start3A_173 = tpu.memref_squeeze %dma_start3A_172 : memref<1x512xf32, #tpu.memory_space<vmem>> -> memref<512xf32, #tpu.memory_space<vmem>>
    %dma_start3A_174 = tpu.memref_slice %arg12[%dma_start3A_164, %mul3A_163] : memref<16x8192xf32, #tpu.memory_space<vmem_shared>> -> memref<1x512xf32, #tpu.memory_space<vmem_shared>>
    %dma_start3A_175 = tpu.memref_squeeze %dma_start3A_174 : memref<1x512xf32, #tpu.memory_space<vmem_shared>> -> memref<512xf32, #tpu.memory_space<vmem_shared>>
    tpu.enqueue_dma source(%dma_start3A_175 : memref<512xf32, #tpu.memory_space<vmem_shared>>) target(%dma_start3A_173 : memref<512xf32, #tpu.memory_space<vmem>>) target_semaphore(%arg17 : memref<!tpu.dma_semaphore, #tpu.memory_space<semaphore_mem>>)
    %mul3A_176 = arith.constant 512 : i32
    %mul3A_177 = arith.muli %arg1, %mul3A_176 : i32
    %dma_start3A_178 = arith.constant 11 : i32
    %dma_start3A_179 = arith.constant 11 : i32
    %dma_start3A_180 = arith.constant 0 : i32
    %dma_start3A_181 = tpu.memref_slice %arg10[%dma_start3A_179, %dma_start3A_180] : memref<16x512xf32, #tpu.memory_space<vmem>> -> memref<1x512xf32, #tpu.memory_space<vmem>>
    %dma_start3A_182 = tpu.memref_squeeze %dma_start3A_181 : memref<1x512xf32, #tpu.memory_space<vmem>> -> memref<512xf32, #tpu.memory_space<vmem>>
    %dma_start3A_183 = tpu.memref_slice %arg12[%dma_start3A_178, %mul3A_177] : memref<16x8192xf32, #tpu.memory_space<vmem_shared>> -> memref<1x512xf32, #tpu.memory_space<vmem_shared>>
    %dma_start3A_184 = tpu.memref_squeeze %dma_start3A_183 : memref<1x512xf32, #tpu.memory_space<vmem_shared>> -> memref<512xf32, #tpu.memory_space<vmem_shared>>
    %dma_start3A_185 = arith.constant 0 : i32
    %dma_start3A_186 = tpu.memref_slice %arg10[%dma_start3A_179, %dma_start3A_185] : memref<16x512xf32, #tpu.memory_space<vmem>> -> memref<1x512xf32, #tpu.memory_space<vmem>>
    %dma_start3A_187 = tpu.memref_squeeze %dma_start3A_186 : memref<1x512xf32, #tpu.memory_space<vmem>> -> memref<512xf32, #tpu.memory_space<vmem>>
    %dma_start3A_188 = tpu.memref_slice %arg12[%dma_start3A_178, %mul3A_177] : memref<16x8192xf32, #tpu.memory_space<vmem_shared>> -> memref<1x512xf32, #tpu.memory_space<vmem_shared>>
    %dma_start3A_189 = tpu.memref_squeeze %dma_start3A_188 : memref<1x512xf32, #tpu.memory_space<vmem_shared>> -> memref<512xf32, #tpu.memory_space<vmem_shared>>
    tpu.enqueue_dma source(%dma_start3A_189 : memref<512xf32, #tpu.memory_space<vmem_shared>>) target(%dma_start3A_187 : memref<512xf32, #tpu.memory_space<vmem>>) target_semaphore(%arg17 : memref<!tpu.dma_semaphore, #tpu.memory_space<semaphore_mem>>)
    %mul3A_190 = arith.constant 512 : i32
    %mul3A_191 = arith.muli %arg1, %mul3A_190 : i32
    %dma_start3A_192 = arith.constant 12 : i32
    %dma_start3A_193 = arith.constant 12 : i32
    %dma_start3A_194 = arith.constant 0 : i32
    %dma_start3A_195 = tpu.memref_slice %arg10[%dma_start3A_193, %dma_start3A_194] : memref<16x512xf32, #tpu.memory_space<vmem>> -> memref<1x512xf32, #tpu.memory_space<vmem>>
    %dma_start3A_196 = tpu.memref_squeeze %dma_start3A_195 : memref<1x512xf32, #tpu.memory_space<vmem>> -> memref<512xf32, #tpu.memory_space<vmem>>
    %dma_start3A_197 = tpu.memref_slice %arg12[%dma_start3A_192, %mul3A_191] : memref<16x8192xf32, #tpu.memory_space<vmem_shared>> -> memref<1x512xf32, #tpu.memory_space<vmem_shared>>
    %dma_start3A_198 = tpu.memref_squeeze %dma_start3A_197 : memref<1x512xf32, #tpu.memory_space<vmem_shared>> -> memref<512xf32, #tpu.memory_space<vmem_shared>>
    %dma_start3A_199 = arith.constant 0 : i32
    %dma_start3A_200 = tpu.memref_slice %arg10[%dma_start3A_193, %dma_start3A_199] : memref<16x512xf32, #tpu.memory_space<vmem>> -> memref<1x512xf32, #tpu.memory_space<vmem>>
    %dma_start3A_201 = tpu.memref_squeeze %dma_start3A_200 : memref<1x512xf32, #tpu.memory_space<vmem>> -> memref<512xf32, #tpu.memory_space<vmem>>
    %dma_start3A_202 = tpu.memref_slice %arg12[%dma_start3A_192, %mul3A_191] : memref<16x8192xf32, #tpu.memory_space<vmem_shared>> -> memref<1x512xf32, #tpu.memory_space<vmem_shared>>
    %dma_start3A_203 = tpu.memref_squeeze %dma_start3A_202 : memref<1x512xf32, #tpu.memory_space<vmem_shared>> -> memref<512xf32, #tpu.memory_space<vmem_shared>>
    tpu.enqueue_dma source(%dma_start3A_203 : memref<512xf32, #tpu.memory_space<vmem_shared>>) target(%dma_start3A_201 : memref<512xf32, #tpu.memory_space<vmem>>) target_semaphore(%arg17 : memref<!tpu.dma_semaphore, #tpu.memory_space<semaphore_mem>>)
    %mul3A_204 = arith.constant 512 : i32
    %mul3A_205 = arith.muli %arg1, %mul3A_204 : i32
    %dma_start3A_206 = arith.constant 13 : i32
    %dma_start3A_207 = arith.constant 13 : i32
    %dma_start3A_208 = arith.constant 0 : i32
    %dma_start3A_209 = tpu.memref_slice %arg10[%dma_start3A_207, %dma_start3A_208] : memref<16x512xf32, #tpu.memory_space<vmem>> -> memref<1x512xf32, #tpu.memory_space<vmem>>
    %dma_start3A_210 = tpu.memref_squeeze %dma_start3A_209 : memref<1x512xf32, #tpu.memory_space<vmem>> -> memref<512xf32, #tpu.memory_space<vmem>>
    %dma_start3A_211 = tpu.memref_slice %arg12[%dma_start3A_206, %mul3A_205] : memref<16x8192xf32, #tpu.memory_space<vmem_shared>> -> memref<1x512xf32, #tpu.memory_space<vmem_shared>>
    %dma_start3A_212 = tpu.memref_squeeze %dma_start3A_211 : memref<1x512xf32, #tpu.memory_space<vmem_shared>> -> memref<512xf32, #tpu.memory_space<vmem_shared>>
    %dma_start3A_213 = arith.constant 0 : i32
    %dma_start3A_214 = tpu.memref_slice %arg10[%dma_start3A_207, %dma_start3A_213] : memref<16x512xf32, #tpu.memory_space<vmem>> -> memref<1x512xf32, #tpu.memory_space<vmem>>
    %dma_start3A_215 = tpu.memref_squeeze %dma_start3A_214 : memref<1x512xf32, #tpu.memory_space<vmem>> -> memref<512xf32, #tpu.memory_space<vmem>>
    %dma_start3A_216 = tpu.memref_slice %arg12[%dma_start3A_206, %mul3A_205] : memref<16x8192xf32, #tpu.memory_space<vmem_shared>> -> memref<1x512xf32, #tpu.memory_space<vmem_shared>>
    %dma_start3A_217 = tpu.memref_squeeze %dma_start3A_216 : memref<1x512xf32, #tpu.memory_space<vmem_shared>> -> memref<512xf32, #tpu.memory_space<vmem_shared>>
    tpu.enqueue_dma source(%dma_start3A_217 : memref<512xf32, #tpu.memory_space<vmem_shared>>) target(%dma_start3A_215 : memref<512xf32, #tpu.memory_space<vmem>>) target_semaphore(%arg17 : memref<!tpu.dma_semaphore, #tpu.memory_space<semaphore_mem>>)
    %mul3A_218 = arith.constant 512 : i32
    %mul3A_219 = arith.muli %arg1, %mul3A_218 : i32
    %dma_start3A_220 = arith.constant 14 : i32
    %dma_start3A_221 = arith.constant 14 : i32
    %dma_start3A_222 = arith.constant 0 : i32
    %dma_start3A_223 = tpu.memref_slice %arg10[%dma_start3A_221, %dma_start3A_222] : memref<16x512xf32, #tpu.memory_space<vmem>> -> memref<1x512xf32, #tpu.memory_space<vmem>>
    %dma_start3A_224 = tpu.memref_squeeze %dma_start3A_223 : memref<1x512xf32, #tpu.memory_space<vmem>> -> memref<512xf32, #tpu.memory_space<vmem>>
    %dma_start3A_225 = tpu.memref_slice %arg12[%dma_start3A_220, %mul3A_219] : memref<16x8192xf32, #tpu.memory_space<vmem_shared>> -> memref<1x512xf32, #tpu.memory_space<vmem_shared>>
    %dma_start3A_226 = tpu.memref_squeeze %dma_start3A_225 : memref<1x512xf32, #tpu.memory_space<vmem_shared>> -> memref<512xf32, #tpu.memory_space<vmem_shared>>
    %dma_start3A_227 = arith.constant 0 : i32
    %dma_start3A_228 = tpu.memref_slice %arg10[%dma_start3A_221, %dma_start3A_227] : memref<16x512xf32, #tpu.memory_space<vmem>> -> memref<1x512xf32, #tpu.memory_space<vmem>>
    %dma_start3A_229 = tpu.memref_squeeze %dma_start3A_228 : memref<1x512xf32, #tpu.memory_space<vmem>> -> memref<512xf32, #tpu.memory_space<vmem>>
    %dma_start3A_230 = tpu.memref_slice %arg12[%dma_start3A_220, %mul3A_219] : memref<16x8192xf32, #tpu.memory_space<vmem_shared>> -> memref<1x512xf32, #tpu.memory_space<vmem_shared>>
    %dma_start3A_231 = tpu.memref_squeeze %dma_start3A_230 : memref<1x512xf32, #tpu.memory_space<vmem_shared>> -> memref<512xf32, #tpu.memory_space<vmem_shared>>
    tpu.enqueue_dma source(%dma_start3A_231 : memref<512xf32, #tpu.memory_space<vmem_shared>>) target(%dma_start3A_229 : memref<512xf32, #tpu.memory_space<vmem>>) target_semaphore(%arg17 : memref<!tpu.dma_semaphore, #tpu.memory_space<semaphore_mem>>)
    %mul3A_232 = arith.constant 512 : i32
    %mul3A_233 = arith.muli %arg1, %mul3A_232 : i32
    %dma_start3A_234 = arith.constant 15 : i32
    %dma_start3A_235 = arith.constant 15 : i32
    %dma_start3A_236 = arith.constant 0 : i32
    %dma_start3A_237 = tpu.memref_slice %arg10[%dma_start3A_235, %dma_start3A_236] : memref<16x512xf32, #tpu.memory_space<vmem>> -> memref<1x512xf32, #tpu.memory_space<vmem>>
    %dma_start3A_238 = tpu.memref_squeeze %dma_start3A_237 : memref<1x512xf32, #tpu.memory_space<vmem>> -> memref<512xf32, #tpu.memory_space<vmem>>
    %dma_start3A_239 = tpu.memref_slice %arg12[%dma_start3A_234, %mul3A_233] : memref<16x8192xf32, #tpu.memory_space<vmem_shared>> -> memref<1x512xf32, #tpu.memory_space<vmem_shared>>
    %dma_start3A_240 = tpu.memref_squeeze %dma_start3A_239 : memref<1x512xf32, #tpu.memory_space<vmem_shared>> -> memref<512xf32, #tpu.memory_space<vmem_shared>>
    %dma_start3A_241 = arith.constant 0 : i32
    %dma_start3A_242 = tpu.memref_slice %arg10[%dma_start3A_235, %dma_start3A_241] : memref<16x512xf32, #tpu.memory_space<vmem>> -> memref<1x512xf32, #tpu.memory_space<vmem>>
    %dma_start3A_243 = tpu.memref_squeeze %dma_start3A_242 : memref<1x512xf32, #tpu.memory_space<vmem>> -> memref<512xf32, #tpu.memory_space<vmem>>
    %dma_start3A_244 = tpu.memref_slice %arg12[%dma_start3A_234, %mul3A_233] : memref<16x8192xf32, #tpu.memory_space<vmem_shared>> -> memref<1x512xf32, #tpu.memory_space<vmem_shared>>
    %dma_start3A_245 = tpu.memref_squeeze %dma_start3A_244 : memref<1x512xf32, #tpu.memory_space<vmem_shared>> -> memref<512xf32, #tpu.memory_space<vmem_shared>>
    tpu.enqueue_dma source(%dma_start3A_245 : memref<512xf32, #tpu.memory_space<vmem_shared>>) target(%dma_start3A_243 : memref<512xf32, #tpu.memory_space<vmem>>) target_semaphore(%arg17 : memref<!tpu.dma_semaphore, #tpu.memory_space<semaphore_mem>>)
    %dma_wait3A = arith.constant 0 : i32
    %dma_wait3A_246 = arith.constant 0 : i32
    %dma_wait3A_247 = arith.constant 0 : i32
    %dma_wait3A_248 = tpu.memref_slice %arg10[%dma_wait3A_246, %dma_wait3A_247] : memref<16x512xf32, #tpu.memory_space<vmem>> -> memref<1x512xf32, #tpu.memory_space<vmem>>
    %dma_wait3A_249 = tpu.memref_squeeze %dma_wait3A_248 : memref<1x512xf32, #tpu.memory_space<vmem>> -> memref<512xf32, #tpu.memory_space<vmem>>
    %dma_wait3A_250 = tpu.memref_slice %arg12[%dma_wait3A, %mul3A_24] : memref<16x8192xf32, #tpu.memory_space<vmem_shared>> -> memref<1x512xf32, #tpu.memory_space<vmem_shared>>
    %dma_wait3A_251 = tpu.memref_squeeze %dma_wait3A_250 : memref<1x512xf32, #tpu.memory_space<vmem_shared>> -> memref<512xf32, #tpu.memory_space<vmem_shared>>
    %dma_wait3A_252 = arith.constant 0 : i32
    %dma_wait3A_253 = tpu.memref_slice %arg10[%dma_wait3A_246, %dma_wait3A_252] : memref<16x512xf32, #tpu.memory_space<vmem>> -> memref<1x512xf32, #tpu.memory_space<vmem>>
    %dma_wait3A_254 = tpu.memref_squeeze %dma_wait3A_253 : memref<1x512xf32, #tpu.memory_space<vmem>> -> memref<512xf32, #tpu.memory_space<vmem>>
    %dma_wait3A_255 = tpu.memref_slice %arg12[%dma_wait3A, %mul3A_24] : memref<16x8192xf32, #tpu.memory_space<vmem_shared>> -> memref<1x512xf32, #tpu.memory_space<vmem_shared>>
    %dma_wait3A_256 = tpu.memref_squeeze %dma_wait3A_255 : memref<1x512xf32, #tpu.memory_space<vmem_shared>> -> memref<512xf32, #tpu.memory_space<vmem_shared>>
    tpu.wait_dma2 semaphore(%arg17 : memref<!tpu.dma_semaphore, #tpu.memory_space<semaphore_mem>>) src(%dma_wait3A_256 : memref<512xf32, #tpu.memory_space<vmem_shared>>) dst(%dma_wait3A_254 : memref<512xf32, #tpu.memory_space<vmem>>)
    %dma_wait3A_257 = arith.constant 1 : i32
    %dma_wait3A_258 = arith.constant 1 : i32
    %dma_wait3A_259 = arith.constant 0 : i32
    %dma_wait3A_260 = tpu.memref_slice %arg10[%dma_wait3A_258, %dma_wait3A_259] : memref<16x512xf32, #tpu.memory_space<vmem>> -> memref<1x512xf32, #tpu.memory_space<vmem>>
    %dma_wait3A_261 = tpu.memref_squeeze %dma_wait3A_260 : memref<1x512xf32, #tpu.memory_space<vmem>> -> memref<512xf32, #tpu.memory_space<vmem>>
    %dma_wait3A_262 = tpu.memref_slice %arg12[%dma_wait3A_257, %mul3A_37] : memref<16x8192xf32, #tpu.memory_space<vmem_shared>> -> memref<1x512xf32, #tpu.memory_space<vmem_shared>>
    %dma_wait3A_263 = tpu.memref_squeeze %dma_wait3A_262 : memref<1x512xf32, #tpu.memory_space<vmem_shared>> -> memref<512xf32, #tpu.memory_space<vmem_shared>>
    %dma_wait3A_264 = arith.constant 0 : i32
    %dma_wait3A_265 = tpu.memref_slice %arg10[%dma_wait3A_258, %dma_wait3A_264] : memref<16x512xf32, #tpu.memory_space<vmem>> -> memref<1x512xf32, #tpu.memory_space<vmem>>
    %dma_wait3A_266 = tpu.memref_squeeze %dma_wait3A_265 : memref<1x512xf32, #tpu.memory_space<vmem>> -> memref<512xf32, #tpu.memory_space<vmem>>
    %dma_wait3A_267 = tpu.memref_slice %arg12[%dma_wait3A_257, %mul3A_37] : memref<16x8192xf32, #tpu.memory_space<vmem_shared>> -> memref<1x512xf32, #tpu.memory_space<vmem_shared>>
    %dma_wait3A_268 = tpu.memref_squeeze %dma_wait3A_267 : memref<1x512xf32, #tpu.memory_space<vmem_shared>> -> memref<512xf32, #tpu.memory_space<vmem_shared>>
    tpu.wait_dma2 semaphore(%arg17 : memref<!tpu.dma_semaphore, #tpu.memory_space<semaphore_mem>>) src(%dma_wait3A_268 : memref<512xf32, #tpu.memory_space<vmem_shared>>) dst(%dma_wait3A_266 : memref<512xf32, #tpu.memory_space<vmem>>)
    %dma_wait3A_269 = arith.constant 2 : i32
    %dma_wait3A_270 = arith.constant 2 : i32
    %dma_wait3A_271 = arith.constant 0 : i32
    %dma_wait3A_272 = tpu.memref_slice %arg10[%dma_wait3A_270, %dma_wait3A_271] : memref<16x512xf32, #tpu.memory_space<vmem>> -> memref<1x512xf32, #tpu.memory_space<vmem>>
    %dma_wait3A_273 = tpu.memref_squeeze %dma_wait3A_272 : memref<1x512xf32, #tpu.memory_space<vmem>> -> memref<512xf32, #tpu.memory_space<vmem>>
    %dma_wait3A_274 = tpu.memref_slice %arg12[%dma_wait3A_269, %mul3A_51] : memref<16x8192xf32, #tpu.memory_space<vmem_shared>> -> memref<1x512xf32, #tpu.memory_space<vmem_shared>>
    %dma_wait3A_275 = tpu.memref_squeeze %dma_wait3A_274 : memref<1x512xf32, #tpu.memory_space<vmem_shared>> -> memref<512xf32, #tpu.memory_space<vmem_shared>>
    %dma_wait3A_276 = arith.constant 0 : i32
    %dma_wait3A_277 = tpu.memref_slice %arg10[%dma_wait3A_270, %dma_wait3A_276] : memref<16x512xf32, #tpu.memory_space<vmem>> -> memref<1x512xf32, #tpu.memory_space<vmem>>
    %dma_wait3A_278 = tpu.memref_squeeze %dma_wait3A_277 : memref<1x512xf32, #tpu.memory_space<vmem>> -> memref<512xf32, #tpu.memory_space<vmem>>
    %dma_wait3A_279 = tpu.memref_slice %arg12[%dma_wait3A_269, %mul3A_51] : memref<16x8192xf32, #tpu.memory_space<vmem_shared>> -> memref<1x512xf32, #tpu.memory_space<vmem_shared>>
    %dma_wait3A_280 = tpu.memref_squeeze %dma_wait3A_279 : memref<1x512xf32, #tpu.memory_space<vmem_shared>> -> memref<512xf32, #tpu.memory_space<vmem_shared>>
    tpu.wait_dma2 semaphore(%arg17 : memref<!tpu.dma_semaphore, #tpu.memory_space<semaphore_mem>>) src(%dma_wait3A_280 : memref<512xf32, #tpu.memory_space<vmem_shared>>) dst(%dma_wait3A_278 : memref<512xf32, #tpu.memory_space<vmem>>)
    %dma_wait3A_281 = arith.constant 3 : i32
    %dma_wait3A_282 = arith.constant 3 : i32
    %dma_wait3A_283 = arith.constant 0 : i32
    %dma_wait3A_284 = tpu.memref_slice %arg10[%dma_wait3A_282, %dma_wait3A_283] : memref<16x512xf32, #tpu.memory_space<vmem>> -> memref<1x512xf32, #tpu.memory_space<vmem>>
    %dma_wait3A_285 = tpu.memref_squeeze %dma_wait3A_284 : memref<1x512xf32, #tpu.memory_space<vmem>> -> memref<512xf32, #tpu.memory_space<vmem>>
    %dma_wait3A_286 = tpu.memref_slice %arg12[%dma_wait3A_281, %mul3A_65] : memref<16x8192xf32, #tpu.memory_space<vmem_shared>> -> memref<1x512xf32, #tpu.memory_space<vmem_shared>>
    %dma_wait3A_287 = tpu.memref_squeeze %dma_wait3A_286 : memref<1x512xf32, #tpu.memory_space<vmem_shared>> -> memref<512xf32, #tpu.memory_space<vmem_shared>>
    %dma_wait3A_288 = arith.constant 0 : i32
    %dma_wait3A_289 = tpu.memref_slice %arg10[%dma_wait3A_282, %dma_wait3A_288] : memref<16x512xf32, #tpu.memory_space<vmem>> -> memref<1x512xf32, #tpu.memory_space<vmem>>
    %dma_wait3A_290 = tpu.memref_squeeze %dma_wait3A_289 : memref<1x512xf32, #tpu.memory_space<vmem>> -> memref<512xf32, #tpu.memory_space<vmem>>
    %dma_wait3A_291 = tpu.memref_slice %arg12[%dma_wait3A_281, %mul3A_65] : memref<16x8192xf32, #tpu.memory_space<vmem_shared>> -> memref<1x512xf32, #tpu.memory_space<vmem_shared>>
    %dma_wait3A_292 = tpu.memref_squeeze %dma_wait3A_291 : memref<1x512xf32, #tpu.memory_space<vmem_shared>> -> memref<512xf32, #tpu.memory_space<vmem_shared>>
    tpu.wait_dma2 semaphore(%arg17 : memref<!tpu.dma_semaphore, #tpu.memory_space<semaphore_mem>>) src(%dma_wait3A_292 : memref<512xf32, #tpu.memory_space<vmem_shared>>) dst(%dma_wait3A_290 : memref<512xf32, #tpu.memory_space<vmem>>)
    %dma_wait3A_293 = arith.constant 4 : i32
    %dma_wait3A_294 = arith.constant 4 : i32
    %dma_wait3A_295 = arith.constant 0 : i32
    %dma_wait3A_296 = tpu.memref_slice %arg10[%dma_wait3A_294, %dma_wait3A_295] : memref<16x512xf32, #tpu.memory_space<vmem>> -> memref<1x512xf32, #tpu.memory_space<vmem>>
    %dma_wait3A_297 = tpu.memref_squeeze %dma_wait3A_296 : memref<1x512xf32, #tpu.memory_space<vmem>> -> memref<512xf32, #tpu.memory_space<vmem>>
    %dma_wait3A_298 = tpu.memref_slice %arg12[%dma_wait3A_293, %mul3A_79] : memref<16x8192xf32, #tpu.memory_space<vmem_shared>> -> memref<1x512xf32, #tpu.memory_space<vmem_shared>>
    %dma_wait3A_299 = tpu.memref_squeeze %dma_wait3A_298 : memref<1x512xf32, #tpu.memory_space<vmem_shared>> -> memref<512xf32, #tpu.memory_space<vmem_shared>>
    %dma_wait3A_300 = arith.constant 0 : i32
    %dma_wait3A_301 = tpu.memref_slice %arg10[%dma_wait3A_294, %dma_wait3A_300] : memref<16x512xf32, #tpu.memory_space<vmem>> -> memref<1x512xf32, #tpu.memory_space<vmem>>
    %dma_wait3A_302 = tpu.memref_squeeze %dma_wait3A_301 : memref<1x512xf32, #tpu.memory_space<vmem>> -> memref<512xf32, #tpu.memory_space<vmem>>
    %dma_wait3A_303 = tpu.memref_slice %arg12[%dma_wait3A_293, %mul3A_79] : memref<16x8192xf32, #tpu.memory_space<vmem_shared>> -> memref<1x512xf32, #tpu.memory_space<vmem_shared>>
    %dma_wait3A_304 = tpu.memref_squeeze %dma_wait3A_303 : memref<1x512xf32, #tpu.memory_space<vmem_shared>> -> memref<512xf32, #tpu.memory_space<vmem_shared>>
    tpu.wait_dma2 semaphore(%arg17 : memref<!tpu.dma_semaphore, #tpu.memory_space<semaphore_mem>>) src(%dma_wait3A_304 : memref<512xf32, #tpu.memory_space<vmem_shared>>) dst(%dma_wait3A_302 : memref<512xf32, #tpu.memory_space<vmem>>)
    %dma_wait3A_305 = arith.constant 5 : i32
    %dma_wait3A_306 = arith.constant 5 : i32
    %dma_wait3A_307 = arith.constant 0 : i32
    %dma_wait3A_308 = tpu.memref_slice %arg10[%dma_wait3A_306, %dma_wait3A_307] : memref<16x512xf32, #tpu.memory_space<vmem>> -> memref<1x512xf32, #tpu.memory_space<vmem>>
    %dma_wait3A_309 = tpu.memref_squeeze %dma_wait3A_308 : memref<1x512xf32, #tpu.memory_space<vmem>> -> memref<512xf32, #tpu.memory_space<vmem>>
    %dma_wait3A_310 = tpu.memref_slice %arg12[%dma_wait3A_305, %mul3A_93] : memref<16x8192xf32, #tpu.memory_space<vmem_shared>> -> memref<1x512xf32, #tpu.memory_space<vmem_shared>>
    %dma_wait3A_311 = tpu.memref_squeeze %dma_wait3A_310 : memref<1x512xf32, #tpu.memory_space<vmem_shared>> -> memref<512xf32, #tpu.memory_space<vmem_shared>>
    %dma_wait3A_312 = arith.constant 0 : i32
    %dma_wait3A_313 = tpu.memref_slice %arg10[%dma_wait3A_306, %dma_wait3A_312] : memref<16x512xf32, #tpu.memory_space<vmem>> -> memref<1x512xf32, #tpu.memory_space<vmem>>
    %dma_wait3A_314 = tpu.memref_squeeze %dma_wait3A_313 : memref<1x512xf32, #tpu.memory_space<vmem>> -> memref<512xf32, #tpu.memory_space<vmem>>
    %dma_wait3A_315 = tpu.memref_slice %arg12[%dma_wait3A_305, %mul3A_93] : memref<16x8192xf32, #tpu.memory_space<vmem_shared>> -> memref<1x512xf32, #tpu.memory_space<vmem_shared>>
    %dma_wait3A_316 = tpu.memref_squeeze %dma_wait3A_315 : memref<1x512xf32, #tpu.memory_space<vmem_shared>> -> memref<512xf32, #tpu.memory_space<vmem_shared>>
    tpu.wait_dma2 semaphore(%arg17 : memref<!tpu.dma_semaphore, #tpu.memory_space<semaphore_mem>>) src(%dma_wait3A_316 : memref<512xf32, #tpu.memory_space<vmem_shared>>) dst(%dma_wait3A_314 : memref<512xf32, #tpu.memory_space<vmem>>)
    %dma_wait3A_317 = arith.constant 6 : i32
    %dma_wait3A_318 = arith.constant 6 : i32
    %dma_wait3A_319 = arith.constant 0 : i32
    %dma_wait3A_320 = tpu.memref_slice %arg10[%dma_wait3A_318, %dma_wait3A_319] : memref<16x512xf32, #tpu.memory_space<vmem>> -> memref<1x512xf32, #tpu.memory_space<vmem>>
    %dma_wait3A_321 = tpu.memref_squeeze %dma_wait3A_320 : memref<1x512xf32, #tpu.memory_space<vmem>> -> memref<512xf32, #tpu.memory_space<vmem>>
    %dma_wait3A_322 = tpu.memref_slice %arg12[%dma_wait3A_317, %mul3A_107] : memref<16x8192xf32, #tpu.memory_space<vmem_shared>> -> memref<1x512xf32, #tpu.memory_space<vmem_shared>>
    %dma_wait3A_323 = tpu.memref_squeeze %dma_wait3A_322 : memref<1x512xf32, #tpu.memory_space<vmem_shared>> -> memref<512xf32, #tpu.memory_space<vmem_shared>>
    %dma_wait3A_324 = arith.constant 0 : i32
    %dma_wait3A_325 = tpu.memref_slice %arg10[%dma_wait3A_318, %dma_wait3A_324] : memref<16x512xf32, #tpu.memory_space<vmem>> -> memref<1x512xf32, #tpu.memory_space<vmem>>
    %dma_wait3A_326 = tpu.memref_squeeze %dma_wait3A_325 : memref<1x512xf32, #tpu.memory_space<vmem>> -> memref<512xf32, #tpu.memory_space<vmem>>
    %dma_wait3A_327 = tpu.memref_slice %arg12[%dma_wait3A_317, %mul3A_107] : memref<16x8192xf32, #tpu.memory_space<vmem_shared>> -> memref<1x512xf32, #tpu.memory_space<vmem_shared>>
    %dma_wait3A_328 = tpu.memref_squeeze %dma_wait3A_327 : memref<1x512xf32, #tpu.memory_space<vmem_shared>> -> memref<512xf32, #tpu.memory_space<vmem_shared>>
    tpu.wait_dma2 semaphore(%arg17 : memref<!tpu.dma_semaphore, #tpu.memory_space<semaphore_mem>>) src(%dma_wait3A_328 : memref<512xf32, #tpu.memory_space<vmem_shared>>) dst(%dma_wait3A_326 : memref<512xf32, #tpu.memory_space<vmem>>)
    %dma_wait3A_329 = arith.constant 7 : i32
    %dma_wait3A_330 = arith.constant 7 : i32
    %dma_wait3A_331 = arith.constant 0 : i32
    %dma_wait3A_332 = tpu.memref_slice %arg10[%dma_wait3A_330, %dma_wait3A_331] : memref<16x512xf32, #tpu.memory_space<vmem>> -> memref<1x512xf32, #tpu.memory_space<vmem>>
    %dma_wait3A_333 = tpu.memref_squeeze %dma_wait3A_332 : memref<1x512xf32, #tpu.memory_space<vmem>> -> memref<512xf32, #tpu.memory_space<vmem>>
    %dma_wait3A_334 = tpu.memref_slice %arg12[%dma_wait3A_329, %mul3A_121] : memref<16x8192xf32, #tpu.memory_space<vmem_shared>> -> memref<1x512xf32, #tpu.memory_space<vmem_shared>>
    %dma_wait3A_335 = tpu.memref_squeeze %dma_wait3A_334 : memref<1x512xf32, #tpu.memory_space<vmem_shared>> -> memref<512xf32, #tpu.memory_space<vmem_shared>>
    %dma_wait3A_336 = arith.constant 0 : i32
    %dma_wait3A_337 = tpu.memref_slice %arg10[%dma_wait3A_330, %dma_wait3A_336] : memref<16x512xf32, #tpu.memory_space<vmem>> -> memref<1x512xf32, #tpu.memory_space<vmem>>
    %dma_wait3A_338 = tpu.memref_squeeze %dma_wait3A_337 : memref<1x512xf32, #tpu.memory_space<vmem>> -> memref<512xf32, #tpu.memory_space<vmem>>
    %dma_wait3A_339 = tpu.memref_slice %arg12[%dma_wait3A_329, %mul3A_121] : memref<16x8192xf32, #tpu.memory_space<vmem_shared>> -> memref<1x512xf32, #tpu.memory_space<vmem_shared>>
    %dma_wait3A_340 = tpu.memref_squeeze %dma_wait3A_339 : memref<1x512xf32, #tpu.memory_space<vmem_shared>> -> memref<512xf32, #tpu.memory_space<vmem_shared>>
    tpu.wait_dma2 semaphore(%arg17 : memref<!tpu.dma_semaphore, #tpu.memory_space<semaphore_mem>>) src(%dma_wait3A_340 : memref<512xf32, #tpu.memory_space<vmem_shared>>) dst(%dma_wait3A_338 : memref<512xf32, #tpu.memory_space<vmem>>)
    %dma_wait3A_341 = arith.constant 8 : i32
    %dma_wait3A_342 = arith.constant 8 : i32
    %dma_wait3A_343 = arith.constant 0 : i32
    %dma_wait3A_344 = tpu.memref_slice %arg10[%dma_wait3A_342, %dma_wait3A_343] : memref<16x512xf32, #tpu.memory_space<vmem>> -> memref<1x512xf32, #tpu.memory_space<vmem>>
    %dma_wait3A_345 = tpu.memref_squeeze %dma_wait3A_344 : memref<1x512xf32, #tpu.memory_space<vmem>> -> memref<512xf32, #tpu.memory_space<vmem>>
    %dma_wait3A_346 = tpu.memref_slice %arg12[%dma_wait3A_341, %mul3A_135] : memref<16x8192xf32, #tpu.memory_space<vmem_shared>> -> memref<1x512xf32, #tpu.memory_space<vmem_shared>>
    %dma_wait3A_347 = tpu.memref_squeeze %dma_wait3A_346 : memref<1x512xf32, #tpu.memory_space<vmem_shared>> -> memref<512xf32, #tpu.memory_space<vmem_shared>>
    %dma_wait3A_348 = arith.constant 0 : i32
    %dma_wait3A_349 = tpu.memref_slice %arg10[%dma_wait3A_342, %dma_wait3A_348] : memref<16x512xf32, #tpu.memory_space<vmem>> -> memref<1x512xf32, #tpu.memory_space<vmem>>
    %dma_wait3A_350 = tpu.memref_squeeze %dma_wait3A_349 : memref<1x512xf32, #tpu.memory_space<vmem>> -> memref<512xf32, #tpu.memory_space<vmem>>
    %dma_wait3A_351 = tpu.memref_slice %arg12[%dma_wait3A_341, %mul3A_135] : memref<16x8192xf32, #tpu.memory_space<vmem_shared>> -> memref<1x512xf32, #tpu.memory_space<vmem_shared>>
    %dma_wait3A_352 = tpu.memref_squeeze %dma_wait3A_351 : memref<1x512xf32, #tpu.memory_space<vmem_shared>> -> memref<512xf32, #tpu.memory_space<vmem_shared>>
    tpu.wait_dma2 semaphore(%arg17 : memref<!tpu.dma_semaphore, #tpu.memory_space<semaphore_mem>>) src(%dma_wait3A_352 : memref<512xf32, #tpu.memory_space<vmem_shared>>) dst(%dma_wait3A_350 : memref<512xf32, #tpu.memory_space<vmem>>)
    %dma_wait3A_353 = arith.constant 9 : i32
    %dma_wait3A_354 = arith.constant 9 : i32
    %dma_wait3A_355 = arith.constant 0 : i32
    %dma_wait3A_356 = tpu.memref_slice %arg10[%dma_wait3A_354, %dma_wait3A_355] : memref<16x512xf32, #tpu.memory_space<vmem>> -> memref<1x512xf32, #tpu.memory_space<vmem>>
    %dma_wait3A_357 = tpu.memref_squeeze %dma_wait3A_356 : memref<1x512xf32, #tpu.memory_space<vmem>> -> memref<512xf32, #tpu.memory_space<vmem>>
    %dma_wait3A_358 = tpu.memref_slice %arg12[%dma_wait3A_353, %mul3A_149] : memref<16x8192xf32, #tpu.memory_space<vmem_shared>> -> memref<1x512xf32, #tpu.memory_space<vmem_shared>>
    %dma_wait3A_359 = tpu.memref_squeeze %dma_wait3A_358 : memref<1x512xf32, #tpu.memory_space<vmem_shared>> -> memref<512xf32, #tpu.memory_space<vmem_shared>>
    %dma_wait3A_360 = arith.constant 0 : i32
    %dma_wait3A_361 = tpu.memref_slice %arg10[%dma_wait3A_354, %dma_wait3A_360] : memref<16x512xf32, #tpu.memory_space<vmem>> -> memref<1x512xf32, #tpu.memory_space<vmem>>
    %dma_wait3A_362 = tpu.memref_squeeze %dma_wait3A_361 : memref<1x512xf32, #tpu.memory_space<vmem>> -> memref<512xf32, #tpu.memory_space<vmem>>
    %dma_wait3A_363 = tpu.memref_slice %arg12[%dma_wait3A_353, %mul3A_149] : memref<16x8192xf32, #tpu.memory_space<vmem_shared>> -> memref<1x512xf32, #tpu.memory_space<vmem_shared>>
    %dma_wait3A_364 = tpu.memref_squeeze %dma_wait3A_363 : memref<1x512xf32, #tpu.memory_space<vmem_shared>> -> memref<512xf32, #tpu.memory_space<vmem_shared>>
    tpu.wait_dma2 semaphore(%arg17 : memref<!tpu.dma_semaphore, #tpu.memory_space<semaphore_mem>>) src(%dma_wait3A_364 : memref<512xf32, #tpu.memory_space<vmem_shared>>) dst(%dma_wait3A_362 : memref<512xf32, #tpu.memory_space<vmem>>)
    %dma_wait3A_365 = arith.constant 10 : i32
    %dma_wait3A_366 = arith.constant 10 : i32
    %dma_wait3A_367 = arith.constant 0 : i32
    %dma_wait3A_368 = tpu.memref_slice %arg10[%dma_wait3A_366, %dma_wait3A_367] : memref<16x512xf32, #tpu.memory_space<vmem>> -> memref<1x512xf32, #tpu.memory_space<vmem>>
    %dma_wait3A_369 = tpu.memref_squeeze %dma_wait3A_368 : memref<1x512xf32, #tpu.memory_space<vmem>> -> memref<512xf32, #tpu.memory_space<vmem>>
    %dma_wait3A_370 = tpu.memref_slice %arg12[%dma_wait3A_365, %mul3A_163] : memref<16x8192xf32, #tpu.memory_space<vmem_shared>> -> memref<1x512xf32, #tpu.memory_space<vmem_shared>>
    %dma_wait3A_371 = tpu.memref_squeeze %dma_wait3A_370 : memref<1x512xf32, #tpu.memory_space<vmem_shared>> -> memref<512xf32, #tpu.memory_space<vmem_shared>>
    %dma_wait3A_372 = arith.constant 0 : i32
    %dma_wait3A_373 = tpu.memref_slice %arg10[%dma_wait3A_366, %dma_wait3A_372] : memref<16x512xf32, #tpu.memory_space<vmem>> -> memref<1x512xf32, #tpu.memory_space<vmem>>
    %dma_wait3A_374 = tpu.memref_squeeze %dma_wait3A_373 : memref<1x512xf32, #tpu.memory_space<vmem>> -> memref<512xf32, #tpu.memory_space<vmem>>
    %dma_wait3A_375 = tpu.memref_slice %arg12[%dma_wait3A_365, %mul3A_163] : memref<16x8192xf32, #tpu.memory_space<vmem_shared>> -> memref<1x512xf32, #tpu.memory_space<vmem_shared>>
    %dma_wait3A_376 = tpu.memref_squeeze %dma_wait3A_375 : memref<1x512xf32, #tpu.memory_space<vmem_shared>> -> memref<512xf32, #tpu.memory_space<vmem_shared>>
    tpu.wait_dma2 semaphore(%arg17 : memref<!tpu.dma_semaphore, #tpu.memory_space<semaphore_mem>>) src(%dma_wait3A_376 : memref<512xf32, #tpu.memory_space<vmem_shared>>) dst(%dma_wait3A_374 : memref<512xf32, #tpu.memory_space<vmem>>)
    %dma_wait3A_377 = arith.constant 11 : i32
    %dma_wait3A_378 = arith.constant 11 : i32
    %dma_wait3A_379 = arith.constant 0 : i32
    %dma_wait3A_380 = tpu.memref_slice %arg10[%dma_wait3A_378, %dma_wait3A_379] : memref<16x512xf32, #tpu.memory_space<vmem>> -> memref<1x512xf32, #tpu.memory_space<vmem>>
    %dma_wait3A_381 = tpu.memref_squeeze %dma_wait3A_380 : memref<1x512xf32, #tpu.memory_space<vmem>> -> memref<512xf32, #tpu.memory_space<vmem>>
    %dma_wait3A_382 = tpu.memref_slice %arg12[%dma_wait3A_377, %mul3A_177] : memref<16x8192xf32, #tpu.memory_space<vmem_shared>> -> memref<1x512xf32, #tpu.memory_space<vmem_shared>>
    %dma_wait3A_383 = tpu.memref_squeeze %dma_wait3A_382 : memref<1x512xf32, #tpu.memory_space<vmem_shared>> -> memref<512xf32, #tpu.memory_space<vmem_shared>>
    %dma_wait3A_384 = arith.constant 0 : i32
    %dma_wait3A_385 = tpu.memref_slice %arg10[%dma_wait3A_378, %dma_wait3A_384] : memref<16x512xf32, #tpu.memory_space<vmem>> -> memref<1x512xf32, #tpu.memory_space<vmem>>
    %dma_wait3A_386 = tpu.memref_squeeze %dma_wait3A_385 : memref<1x512xf32, #tpu.memory_space<vmem>> -> memref<512xf32, #tpu.memory_space<vmem>>
    %dma_wait3A_387 = tpu.memref_slice %arg12[%dma_wait3A_377, %mul3A_177] : memref<16x8192xf32, #tpu.memory_space<vmem_shared>> -> memref<1x512xf32, #tpu.memory_space<vmem_shared>>
    %dma_wait3A_388 = tpu.memref_squeeze %dma_wait3A_387 : memref<1x512xf32, #tpu.memory_space<vmem_shared>> -> memref<512xf32, #tpu.memory_space<vmem_shared>>
    tpu.wait_dma2 semaphore(%arg17 : memref<!tpu.dma_semaphore, #tpu.memory_space<semaphore_mem>>) src(%dma_wait3A_388 : memref<512xf32, #tpu.memory_space<vmem_shared>>) dst(%dma_wait3A_386 : memref<512xf32, #tpu.memory_space<vmem>>)
    %dma_wait3A_389 = arith.constant 12 : i32
    %dma_wait3A_390 = arith.constant 12 : i32
    %dma_wait3A_391 = arith.constant 0 : i32
    %dma_wait3A_392 = tpu.memref_slice %arg10[%dma_wait3A_390, %dma_wait3A_391] : memref<16x512xf32, #tpu.memory_space<vmem>> -> memref<1x512xf32, #tpu.memory_space<vmem>>
    %dma_wait3A_393 = tpu.memref_squeeze %dma_wait3A_392 : memref<1x512xf32, #tpu.memory_space<vmem>> -> memref<512xf32, #tpu.memory_space<vmem>>
    %dma_wait3A_394 = tpu.memref_slice %arg12[%dma_wait3A_389, %mul3A_191] : memref<16x8192xf32, #tpu.memory_space<vmem_shared>> -> memref<1x512xf32, #tpu.memory_space<vmem_shared>>
    %dma_wait3A_395 = tpu.memref_squeeze %dma_wait3A_394 : memref<1x512xf32, #tpu.memory_space<vmem_shared>> -> memref<512xf32, #tpu.memory_space<vmem_shared>>
    %dma_wait3A_396 = arith.constant 0 : i32
    %dma_wait3A_397 = tpu.memref_slice %arg10[%dma_wait3A_390, %dma_wait3A_396] : memref<16x512xf32, #tpu.memory_space<vmem>> -> memref<1x512xf32, #tpu.memory_space<vmem>>
    %dma_wait3A_398 = tpu.memref_squeeze %dma_wait3A_397 : memref<1x512xf32, #tpu.memory_space<vmem>> -> memref<512xf32, #tpu.memory_space<vmem>>
    %dma_wait3A_399 = tpu.memref_slice %arg12[%dma_wait3A_389, %mul3A_191] : memref<16x8192xf32, #tpu.memory_space<vmem_shared>> -> memref<1x512xf32, #tpu.memory_space<vmem_shared>>
    %dma_wait3A_400 = tpu.memref_squeeze %dma_wait3A_399 : memref<1x512xf32, #tpu.memory_space<vmem_shared>> -> memref<512xf32, #tpu.memory_space<vmem_shared>>
    tpu.wait_dma2 semaphore(%arg17 : memref<!tpu.dma_semaphore, #tpu.memory_space<semaphore_mem>>) src(%dma_wait3A_400 : memref<512xf32, #tpu.memory_space<vmem_shared>>) dst(%dma_wait3A_398 : memref<512xf32, #tpu.memory_space<vmem>>)
    %dma_wait3A_401 = arith.constant 13 : i32
    %dma_wait3A_402 = arith.constant 13 : i32
    %dma_wait3A_403 = arith.constant 0 : i32
    %dma_wait3A_404 = tpu.memref_slice %arg10[%dma_wait3A_402, %dma_wait3A_403] : memref<16x512xf32, #tpu.memory_space<vmem>> -> memref<1x512xf32, #tpu.memory_space<vmem>>
    %dma_wait3A_405 = tpu.memref_squeeze %dma_wait3A_404 : memref<1x512xf32, #tpu.memory_space<vmem>> -> memref<512xf32, #tpu.memory_space<vmem>>
    %dma_wait3A_406 = tpu.memref_slice %arg12[%dma_wait3A_401, %mul3A_205] : memref<16x8192xf32, #tpu.memory_space<vmem_shared>> -> memref<1x512xf32, #tpu.memory_space<vmem_shared>>
    %dma_wait3A_407 = tpu.memref_squeeze %dma_wait3A_406 : memref<1x512xf32, #tpu.memory_space<vmem_shared>> -> memref<512xf32, #tpu.memory_space<vmem_shared>>
    %dma_wait3A_408 = arith.constant 0 : i32
    %dma_wait3A_409 = tpu.memref_slice %arg10[%dma_wait3A_402, %dma_wait3A_408] : memref<16x512xf32, #tpu.memory_space<vmem>> -> memref<1x512xf32, #tpu.memory_space<vmem>>
    %dma_wait3A_410 = tpu.memref_squeeze %dma_wait3A_409 : memref<1x512xf32, #tpu.memory_space<vmem>> -> memref<512xf32, #tpu.memory_space<vmem>>
    %dma_wait3A_411 = tpu.memref_slice %arg12[%dma_wait3A_401, %mul3A_205] : memref<16x8192xf32, #tpu.memory_space<vmem_shared>> -> memref<1x512xf32, #tpu.memory_space<vmem_shared>>
    %dma_wait3A_412 = tpu.memref_squeeze %dma_wait3A_411 : memref<1x512xf32, #tpu.memory_space<vmem_shared>> -> memref<512xf32, #tpu.memory_space<vmem_shared>>
    tpu.wait_dma2 semaphore(%arg17 : memref<!tpu.dma_semaphore, #tpu.memory_space<semaphore_mem>>) src(%dma_wait3A_412 : memref<512xf32, #tpu.memory_space<vmem_shared>>) dst(%dma_wait3A_410 : memref<512xf32, #tpu.memory_space<vmem>>)
    %dma_wait3A_413 = arith.constant 14 : i32
    %dma_wait3A_414 = arith.constant 14 : i32
    %dma_wait3A_415 = arith.constant 0 : i32
    %dma_wait3A_416 = tpu.memref_slice %arg10[%dma_wait3A_414, %dma_wait3A_415] : memref<16x512xf32, #tpu.memory_space<vmem>> -> memref<1x512xf32, #tpu.memory_space<vmem>>
    %dma_wait3A_417 = tpu.memref_squeeze %dma_wait3A_416 : memref<1x512xf32, #tpu.memory_space<vmem>> -> memref<512xf32, #tpu.memory_space<vmem>>
    %dma_wait3A_418 = tpu.memref_slice %arg12[%dma_wait3A_413, %mul3A_219] : memref<16x8192xf32, #tpu.memory_space<vmem_shared>> -> memref<1x512xf32, #tpu.memory_space<vmem_shared>>
    %dma_wait3A_419 = tpu.memref_squeeze %dma_wait3A_418 : memref<1x512xf32, #tpu.memory_space<vmem_shared>> -> memref<512xf32, #tpu.memory_space<vmem_shared>>
    %dma_wait3A_420 = arith.constant 0 : i32
    %dma_wait3A_421 = tpu.memref_slice %arg10[%dma_wait3A_414, %dma_wait3A_420] : memref<16x512xf32, #tpu.memory_space<vmem>> -> memref<1x512xf32, #tpu.memory_space<vmem>>
    %dma_wait3A_422 = tpu.memref_squeeze %dma_wait3A_421 : memref<1x512xf32, #tpu.memory_space<vmem>> -> memref<512xf32, #tpu.memory_space<vmem>>
    %dma_wait3A_423 = tpu.memref_slice %arg12[%dma_wait3A_413, %mul3A_219] : memref<16x8192xf32, #tpu.memory_space<vmem_shared>> -> memref<1x512xf32, #tpu.memory_space<vmem_shared>>
    %dma_wait3A_424 = tpu.memref_squeeze %dma_wait3A_423 : memref<1x512xf32, #tpu.memory_space<vmem_shared>> -> memref<512xf32, #tpu.memory_space<vmem_shared>>
    tpu.wait_dma2 semaphore(%arg17 : memref<!tpu.dma_semaphore, #tpu.memory_space<semaphore_mem>>) src(%dma_wait3A_424 : memref<512xf32, #tpu.memory_space<vmem_shared>>) dst(%dma_wait3A_422 : memref<512xf32, #tpu.memory_space<vmem>>)
    %dma_wait3A_425 = arith.constant 15 : i32
    %dma_wait3A_426 = arith.constant 15 : i32
    %dma_wait3A_427 = arith.constant 0 : i32
    %dma_wait3A_428 = tpu.memref_slice %arg10[%dma_wait3A_426, %dma_wait3A_427] : memref<16x512xf32, #tpu.memory_space<vmem>> -> memref<1x512xf32, #tpu.memory_space<vmem>>
    %dma_wait3A_429 = tpu.memref_squeeze %dma_wait3A_428 : memref<1x512xf32, #tpu.memory_space<vmem>> -> memref<512xf32, #tpu.memory_space<vmem>>
    %dma_wait3A_430 = tpu.memref_slice %arg12[%dma_wait3A_425, %mul3A_233] : memref<16x8192xf32, #tpu.memory_space<vmem_shared>> -> memref<1x512xf32, #tpu.memory_space<vmem_shared>>
    %dma_wait3A_431 = tpu.memref_squeeze %dma_wait3A_430 : memref<1x512xf32, #tpu.memory_space<vmem_shared>> -> memref<512xf32, #tpu.memory_space<vmem_shared>>
    %dma_wait3A_432 = arith.constant 0 : i32
    %dma_wait3A_433 = tpu.memref_slice %arg10[%dma_wait3A_426, %dma_wait3A_432] : memref<16x512xf32, #tpu.memory_space<vmem>> -> memref<1x512xf32, #tpu.memory_space<vmem>>
    %dma_wait3A_434 = tpu.memref_squeeze %dma_wait3A_433 : memref<1x512xf32, #tpu.memory_space<vmem>> -> memref<512xf32, #tpu.memory_space<vmem>>
    %dma_wait3A_435 = tpu.memref_slice %arg12[%dma_wait3A_425, %mul3A_233] : memref<16x8192xf32, #tpu.memory_space<vmem_shared>> -> memref<1x512xf32, #tpu.memory_space<vmem_shared>>
    %dma_wait3A_436 = tpu.memref_squeeze %dma_wait3A_435 : memref<1x512xf32, #tpu.memory_space<vmem_shared>> -> memref<512xf32, #tpu.memory_space<vmem_shared>>
    tpu.wait_dma2 semaphore(%arg17 : memref<!tpu.dma_semaphore, #tpu.memory_space<semaphore_mem>>) src(%dma_wait3A_436 : memref<512xf32, #tpu.memory_space<vmem_shared>>) dst(%dma_wait3A_434 : memref<512xf32, #tpu.memory_space<vmem>>)
    %parallel_loop3A = arith.constant 0 : i32
    %parallel_loop3A_437 = arith.constant 32 : i32
    %parallel_loop3A_438 = arith.constant 1 : i32
    scf.for %parallel_loop3A_444 = %parallel_loop3A to %parallel_loop3A_437 step %parallel_loop3A_438  : i32 {
      %parallel_loop3A_445 = arith.constant 16 : i32
      %parallel_loop3A_446 = arith.muli %parallel_loop3A_444, %parallel_loop3A_445 : i32
      %parallel_loop3A_447 = arith.constant 0 : i32
      %parallel_loop3A_448 = arith.index_cast %parallel_loop3A_447 : i32 to index
      %parallel_loop3A_449 = arith.index_cast %parallel_loop3A_446 : i32 to index
      %parallel_loop3A_450 = tpu.vector_load %arg10[%parallel_loop3A_448, %parallel_loop3A_449] {strides = array<i32>} : memref<16x512xf32, #tpu.memory_space<vmem>>, vector<16xf32>,
      %parallel_loop3A_451 = arith.constant 1 : i32
      %parallel_loop3A_452 = arith.index_cast %parallel_loop3A_451 : i32 to index
      %parallel_loop3A_453 = arith.index_cast %parallel_loop3A_446 : i32 to index
      %parallel_loop3A_454 = tpu.vector_load %arg10[%parallel_loop3A_452, %parallel_loop3A_453] {strides = array<i32>} : memref<16x512xf32, #tpu.memory_space<vmem>>, vector<16xf32>,
      %parallel_loop3A_455 = arith.addf %parallel_loop3A_450, %parallel_loop3A_454 : vector<16xf32>
      %parallel_loop3A_456 = arith.constant 2 : i32
      %parallel_loop3A_457 = arith.index_cast %parallel_loop3A_456 : i32 to index
      %parallel_loop3A_458 = arith.index_cast %parallel_loop3A_446 : i32 to index
      %parallel_loop3A_459 = tpu.vector_load %arg10[%parallel_loop3A_457, %parallel_loop3A_458] {strides = array<i32>} : memref<16x512xf32, #tpu.memory_space<vmem>>, vector<16xf32>,
      %parallel_loop3A_460 = arith.addf %parallel_loop3A_455, %parallel_loop3A_459 : vector<16xf32>
      %parallel_loop3A_461 = arith.constant 3 : i32
      %parallel_loop3A_462 = arith.index_cast %parallel_loop3A_461 : i32 to index
      %parallel_loop3A_463 = arith.index_cast %parallel_loop3A_446 : i32 to index
      %parallel_loop3A_464 = tpu.vector_load %arg10[%parallel_loop3A_462, %parallel_loop3A_463] {strides = array<i32>} : memref<16x512xf32, #tpu.memory_space<vmem>>, vector<16xf32>,
      %parallel_loop3A_465 = arith.addf %parallel_loop3A_460, %parallel_loop3A_464 : vector<16xf32>
      %parallel_loop3A_466 = arith.constant 4 : i32
      %parallel_loop3A_467 = arith.index_cast %parallel_loop3A_466 : i32 to index
      %parallel_loop3A_468 = arith.index_cast %parallel_loop3A_446 : i32 to index
      %parallel_loop3A_469 = tpu.vector_load %arg10[%parallel_loop3A_467, %parallel_loop3A_468] {strides = array<i32>} : memref<16x512xf32, #tpu.memory_space<vmem>>, vector<16xf32>,
      %parallel_loop3A_470 = arith.addf %parallel_loop3A_465, %parallel_loop3A_469 : vector<16xf32>
      %parallel_loop3A_471 = arith.constant 5 : i32
      %parallel_loop3A_472 = arith.index_cast %parallel_loop3A_471 : i32 to index
      %parallel_loop3A_473 = arith.index_cast %parallel_loop3A_446 : i32 to index
      %parallel_loop3A_474 = tpu.vector_load %arg10[%parallel_loop3A_472, %parallel_loop3A_473] {strides = array<i32>} : memref<16x512xf32, #tpu.memory_space<vmem>>, vector<16xf32>,
      %parallel_loop3A_475 = arith.addf %parallel_loop3A_470, %parallel_loop3A_474 : vector<16xf32>
      %parallel_loop3A_476 = arith.constant 6 : i32
      %parallel_loop3A_477 = arith.index_cast %parallel_loop3A_476 : i32 to index
      %parallel_loop3A_478 = arith.index_cast %parallel_loop3A_446 : i32 to index
      %parallel_loop3A_479 = tpu.vector_load %arg10[%parallel_loop3A_477, %parallel_loop3A_478] {strides = array<i32>} : memref<16x512xf32, #tpu.memory_space<vmem>>, vector<16xf32>,
      %parallel_loop3A_480 = arith.addf %parallel_loop3A_475, %parallel_loop3A_479 : vector<16xf32>
      %parallel_loop3A_481 = arith.constant 7 : i32
      %parallel_loop3A_482 = arith.index_cast %parallel_loop3A_481 : i32 to index
      %parallel_loop3A_483 = arith.index_cast %parallel_loop3A_446 : i32 to index
      %parallel_loop3A_484 = tpu.vector_load %arg10[%parallel_loop3A_482, %parallel_loop3A_483] {strides = array<i32>} : memref<16x512xf32, #tpu.memory_space<vmem>>, vector<16xf32>,
      %parallel_loop3A_485 = arith.addf %parallel_loop3A_480, %parallel_loop3A_484 : vector<16xf32>
      %parallel_loop3A_486 = arith.constant 8 : i32
      %parallel_loop3A_487 = arith.index_cast %parallel_loop3A_486 : i32 to index
      %parallel_loop3A_488 = arith.index_cast %parallel_loop3A_446 : i32 to index
      %parallel_loop3A_489 = tpu.vector_load %arg10[%parallel_loop3A_487, %parallel_loop3A_488] {strides = array<i32>} : memref<16x512xf32, #tpu.memory_space<vmem>>, vector<16xf32>,
      %parallel_loop3A_490 = arith.addf %parallel_loop3A_485, %parallel_loop3A_489 : vector<16xf32>
      %parallel_loop3A_491 = arith.constant 9 : i32
      %parallel_loop3A_492 = arith.index_cast %parallel_loop3A_491 : i32 to index
      %parallel_loop3A_493 = arith.index_cast %parallel_loop3A_446 : i32 to index
      %parallel_loop3A_494 = tpu.vector_load %arg10[%parallel_loop3A_492, %parallel_loop3A_493] {strides = array<i32>} : memref<16x512xf32, #tpu.memory_space<vmem>>, vector<16xf32>,
      %parallel_loop3A_495 = arith.addf %parallel_loop3A_490, %parallel_loop3A_494 : vector<16xf32>
      %parallel_loop3A_496 = arith.constant 10 : i32
      %parallel_loop3A_497 = arith.index_cast %parallel_loop3A_496 : i32 to index
      %parallel_loop3A_498 = arith.index_cast %parallel_loop3A_446 : i32 to index
      %parallel_loop3A_499 = tpu.vector_load %arg10[%parallel_loop3A_497, %parallel_loop3A_498] {strides = array<i32>} : memref<16x512xf32, #tpu.memory_space<vmem>>, vector<16xf32>,
      %parallel_loop3A_500 = arith.addf %parallel_loop3A_495, %parallel_loop3A_499 : vector<16xf32>
      %parallel_loop3A_501 = arith.constant 11 : i32
      %parallel_loop3A_502 = arith.index_cast %parallel_loop3A_501 : i32 to index
      %parallel_loop3A_503 = arith.index_cast %parallel_loop3A_446 : i32 to index
      %parallel_loop3A_504 = tpu.vector_load %arg10[%parallel_loop3A_502, %parallel_loop3A_503] {strides = array<i32>} : memref<16x512xf32, #tpu.memory_space<vmem>>, vector<16xf32>,
      %parallel_loop3A_505 = arith.addf %parallel_loop3A_500, %parallel_loop3A_504 : vector<16xf32>
      %parallel_loop3A_506 = arith.constant 12 : i32
      %parallel_loop3A_507 = arith.index_cast %parallel_loop3A_506 : i32 to index
      %parallel_loop3A_508 = arith.index_cast %parallel_loop3A_446 : i32 to index
      %parallel_loop3A_509 = tpu.vector_load %arg10[%parallel_loop3A_507, %parallel_loop3A_508] {strides = array<i32>} : memref<16x512xf32, #tpu.memory_space<vmem>>, vector<16xf32>,
      %parallel_loop3A_510 = arith.addf %parallel_loop3A_505, %parallel_loop3A_509 : vector<16xf32>
      %parallel_loop3A_511 = arith.constant 13 : i32
      %parallel_loop3A_512 = arith.index_cast %parallel_loop3A_511 : i32 to index
      %parallel_loop3A_513 = arith.index_cast %parallel_loop3A_446 : i32 to index
      %parallel_loop3A_514 = tpu.vector_load %arg10[%parallel_loop3A_512, %parallel_loop3A_513] {strides = array<i32>} : memref<16x512xf32, #tpu.memory_space<vmem>>, vector<16xf32>,
      %parallel_loop3A_515 = arith.addf %parallel_loop3A_510, %parallel_loop3A_514 : vector<16xf32>
      %parallel_loop3A_516 = arith.constant 14 : i32
      %parallel_loop3A_517 = arith.index_cast %parallel_loop3A_516 : i32 to index
      %parallel_loop3A_518 = arith.index_cast %parallel_loop3A_446 : i32 to index
      %parallel_loop3A_519 = tpu.vector_load %arg10[%parallel_loop3A_517, %parallel_loop3A_518] {strides = array<i32>} : memref<16x512xf32, #tpu.memory_space<vmem>>, vector<16xf32>,
      %parallel_loop3A_520 = arith.addf %parallel_loop3A_515, %parallel_loop3A_519 : vector<16xf32>
      %parallel_loop3A_521 = arith.constant 15 : i32
      %parallel_loop3A_522 = arith.index_cast %parallel_loop3A_521 : i32 to index
      %parallel_loop3A_523 = arith.index_cast %parallel_loop3A_446 : i32 to index
      %parallel_loop3A_524 = tpu.vector_load %arg10[%parallel_loop3A_522, %parallel_loop3A_523] {strides = array<i32>} : memref<16x512xf32, #tpu.memory_space<vmem>>, vector<16xf32>,
      %parallel_loop3A_525 = arith.addf %parallel_loop3A_520, %parallel_loop3A_524 : vector<16xf32>
      %parallel_loop3A_526 = arith.index_cast %parallel_loop3A_446 : i32 to index
      %parallel_loop3A_527 = tpu.vector_load %arg11[%parallel_loop3A_526] {strides = array<i32>} : memref<512xf32, #tpu.memory_space<vmem>>, vector<16xf32>,
      tpu.vector_store %arg11[%parallel_loop3A_526], %parallel_loop3A_525 {strides = array<i32>} : memref<512xf32, #tpu.memory_space<vmem>>, vector<16xf32>,
    } {sc.loop_unroll_factor = 2 : i64, sc.parallel_access}
    %mul3A_439 = arith.constant 8192 : i32
    %mul3A_440 = arith.muli %arg0, %mul3A_439 : i32
    %mul3A_441 = arith.constant 512 : i32
    %mul3A_442 = arith.muli %arg1, %mul3A_441 : i32
    %add3A_443 = arith.addi %mul3A_440, %mul3A_442 : i32
    "tpu.region"() ({
      %run_scoped3A = tpu.sem_alloc : memref<!tpu.dma_semaphore, #tpu.memory_space<semaphore_mem>>
      %dma_start3A_444 = tpu.memref_slice %arg4[%add3A_443] : memref<16384xf32, #tpu.memory_space<hbm>> -> memref<512xf32, #tpu.memory_space<hbm>>
      %dma_start3A_445 = tpu.memref_slice %arg4[%add3A_443] : memref<16384xf32, #tpu.memory_space<hbm>> -> memref<512xf32, #tpu.memory_space<hbm>>
      tpu.enqueue_dma source(%arg11 : memref<512xf32, #tpu.memory_space<vmem>>) target(%dma_start3A_445 : memref<512xf32, #tpu.memory_space<hbm>>) target_semaphore(%run_scoped3A : memref<!tpu.dma_semaphore, #tpu.memory_space<semaphore_mem>>)
      %dma_wait3A_446 = tpu.memref_slice %arg4[%add3A_443] : memref<16384xf32, #tpu.memory_space<hbm>> -> memref<512xf32, #tpu.memory_space<hbm>>
      %dma_wait3A_447 = tpu.memref_slice %arg4[%add3A_443] : memref<16384xf32, #tpu.memory_space<hbm>> -> memref<512xf32, #tpu.memory_space<hbm>>
      tpu.wait_dma2 semaphore(%run_scoped3A : memref<!tpu.dma_semaphore, #tpu.memory_space<semaphore_mem>>) src(%arg11 : memref<512xf32, #tpu.memory_space<vmem>>) dst(%dma_wait3A_447 : memref<512xf32, #tpu.memory_space<hbm>>)
      tpu.yield
    }) : () -> ()
    return
  }
}

</mosaic_0001>

<sc_bundles>
// kernel: kernel.3.cloned.1.call-start
scs
__scs_entry_jumppad:
0x0: {  	(pc) =	sbr.rel $0x88, $3  }
0x1: {  	(tag) =	ssettag $0x0;
	lr =	simm.s32 $0x1  }
0x2: {  	[smem:$0x3F9F] =	sst lr;
	_ =	strace $0xD0000000  }
0x3: {  	_ = 	snop  }
0x4: {  	_ = 	snop  }
0x5: {  	_ = 	snop  }
0x6: {  	_ = 	snop  }
0x7: {  	_ = 	snop  }
__scs_overlays_trampoline_lowered:
0x8: {  	[smem:$0x3FAE] =	sst s0  }
0x9: {  	[smem:$0x3FAF] =	sst s1  }
0xa: {  	[smem:$0x3FB0] =	sst s2  }
0xb: {  	[smem:$0x3FB1] =	sst s3  }
0xc: {  	[smem:$0x3FB2] =	sst s4  }
0xd: {  	[smem:$0x3FB3] =	sst s5  }
0xe: {  	[smem:$0x3FB4] =	sst s6  }
0xf: {  	[smem:$0x3FB5] =	sst s7  }
0x10: {  	[smem:$0x3FB6] =	sst s8  }
0x11: {  	[smem:$0x3FB7] =	sst s9;
	s0 =	simm.s32 @!p0 $0x0  }
0x12: {  	s1 =	sld [smem:$0x3F9D];
	s0 =	simm.s32 @p0 $0x1  }
0x13: {  	[smem:$0x3FB8] =	sst s0;
	s0 =	simm.s32 @!p1 $0x0  }
0x14: {  	s2 =	sld [smem:$0x3F9C];
	s0 =	simm.s32 @p1 $0x1  }
0x15: {  	[smem:$0x3FB9] =	sst s0;
	s0 =	simm.s32 @!p2 $0x0  }
0x16: {  	s3 =	sld [smem:$0x3FDB];
	s0 =	simm.s32 @p2 $0x1  }
0x17: {  	s4 =	simm.s32 $0x1BF5;
	[smem:$0x3FBB] =	sst s0  }
0x18: {  	s0 =	sld [smem:$0x3F9E];
	_ =	swait.ge [sflag:s4], $0x0  }
0x19: {  	s7 =	sld [smem:$0x3F9F]  }
0x1a: {  	s8 =	sadd.s32 $0xFFFFE003, lr  }
0x1b: {  	s9 =	sadd.s32 $0xFFFFFEF7, lr;
	s5 =	simm.s32 $0xFFFFFFFF;
	p2 =	slt.u32 s8, $0xFFFFF086  }
0x1c: {  	p1 =	slt.u32 s9, $0xF7A;
	s5 =	simm.s32 @!p2 $0x0  }
0x1d: {  	s5 =	simm.s32 @p1 $0x1;
	p0 =	seq.s32 s7, s2  }
0x1e: {  	s7 =	smul.u32 @!p0 $0xF7A, s2;
	p2 =	seq.s32 @!p0 s5, $0x0  }
0x1f: {  	s9 =	smul.u32 $0xF7A, s1;
	s8 =	simm.s32 @!p0 $0x1BF5;
	p2 =	por !p2, p0  }
0x20: {  	[sflag:s8] =	ssyncset.s32 @!p0 $0xFFFFF086;
	s6 =	sadd.s32 @!p0 s3, s7;
	s7 =	simm.s32 @!p0 $0x108  }
0x21: {  	s3 =	sadd.s32 s3, s9;
	s6 =	sadd.s32 @!p0 $0x88, s6;
	s7 =	simm.s32 @p2 $0x1082  }
0x22: {  	[simem:s7], [sflag:s8] =	dma.local @!p0 [hbm:s6], $0xF7A  }
0x23: {  	s9 =	sor.u32 $0xD0000000, s2;
	s6 =	simm.s32 $0x108;
	_ =	swait.ge @!p0 [sflag:s8], $0x0  }
0x24: {  	s3 =	sadd.s32 $0x88, s3;
	s6 =	simm.s32 @!p1 $0x1082;
	[sflag:s4] =	ssyncset.s32 $0xFFFFF086  }
0x25: {  	[simem:s6], [sflag:s4] =	dma.local [hbm:s3], $0xF7A  }
0x26: {  	[smem:$0x3F9F] =	sst s1;
	(tag) =	ssettag s2;
	_ =	strace s9  }
0x27: {  	s1 =	sld [smem:$0x3FAF]  }
0x28: {  	s2 =	sld [smem:$0x3FB0]  }
0x29: {  	s4 =	sld [smem:$0x3FB2]  }
0x2a: {  	p0 =	seq.s32 s5, $0x0;
	s5 =	sld [smem:$0x3FB3]  }
0x2b: {  	s6 =	sld [smem:$0x3FB4]  }
0x2c: {  	s7 =	sld [smem:$0x3FB5]  }
0x2d: {  	s3 =	simm.s32 $0x108;
	s8 =	sld [smem:$0x3FB6]  }
0x2e: {  	s3 =	simm.s32 @!p0 $0x1082;
	s9 =	sld [smem:$0x3FB7]  }
0x2f: {  	lr =	sadd.s32 s0, s3;
	s0 =	sld [smem:$0x3FAE]  }
0x30: {  	s3 =	sld [smem:$0x3FB1]  }
0x31: {  	[smem:$0x3FBA] =	sst s10  }
0x32: {  	s10 =	sld [smem:$0x3FB8];
	_ =	sdelay $0x3  }
0x33: {  	p0 =	seq.s32 s10, $0x1;
	s10 =	sld [smem:$0x3FBA];
	_ =	sdelay $0x3  }
0x34: {  	[smem:$0x3FBA] =	sst s10  }
0x35: {  	s10 =	sld [smem:$0x3FB9];
	_ =	sdelay $0x3  }
0x36: {  	p1 =	seq.s32 s10, $0x1;
	s10 =	sld [smem:$0x3FBA];
	_ =	sdelay $0x3  }
0x37: {  	[smem:$0x3FBA] =	sst s10  }
0x38: {  	s10 =	sld [smem:$0x3FBB]  }
0x39: {  	_ = 	snop;
	(pc) =	sbr.ind lr, $3  }
0x3a: {  	_ = 	snop  }
0x3b: {  	_ = 	snop  }
0x3c: {  	p2 =	seq.s32 s10, $0x1;
	s10 =	sld [smem:$0x3FBA]  }
0x3d: {  	_ =	shalt  }
0x3e: {  	_ =	shalt  }
0x3f: {  	_ =	shalt  }
0x40: {  	_ =	shalt  }
0x41: {  	_ =	shalt  }
0x42: {  	_ =	shalt  }
0x43: {  	_ =	shalt  }
0x44: {  	_ =	shalt  }
0x45: {  	_ =	shalt  }
0x46: {  	_ =	shalt  }
0x47: {  	_ =	shalt  }
0x48: {  	_ =	shalt  }
0x49: {  	_ =	shalt  }
0x4a: {  	_ =	shalt  }
0x4b: {  	_ =	shalt  }
0x4c: {  	_ =	shalt  }
0x4d: {  	_ =	shalt  }
0x4e: {  	_ =	shalt  }
0x4f: {  	_ =	shalt  }
0x50: {  	_ =	shalt  }
0x51: {  	_ =	shalt  }
0x52: {  	_ =	shalt  }
0x53: {  	_ =	shalt  }
0x54: {  	_ =	shalt  }
0x55: {  	_ =	shalt  }
0x56: {  	_ =	shalt  }
0x57: {  	_ =	shalt  }
0x58: {  	_ =	shalt  }
0x59: {  	_ =	shalt  }
0x5a: {  	_ =	shalt  }
0x5b: {  	_ =	shalt  }
0x5c: {  	_ =	shalt  }
0x5d: {  	_ =	shalt  }
0x5e: {  	_ =	shalt  }
0x5f: {  	_ =	shalt  }
0x60: {  	_ =	shalt  }
0x61: {  	_ =	shalt  }
0x62: {  	_ =	shalt  }
0x63: {  	_ =	shalt  }
0x64: {  	_ =	shalt  }
0x65: {  	_ =	shalt  }
0x66: {  	_ =	shalt  }
0x67: {  	_ =	shalt  }
0x68: {  	_ =	shalt  }
0x69: {  	_ =	shalt  }
0x6a: {  	_ =	shalt  }
0x6b: {  	_ =	shalt  }
0x6c: {  	_ =	shalt  }
0x6d: {  	_ =	shalt  }
0x6e: {  	_ =	shalt  }
0x6f: {  	_ =	shalt  }
0x70: {  	_ =	shalt  }
0x71: {  	_ =	shalt  }
0x72: {  	_ =	shalt  }
0x73: {  	_ =	shalt  }
0x74: {  	_ =	shalt  }
0x75: {  	_ =	shalt  }
0x76: {  	_ =	shalt  }
0x77: {  	_ =	shalt  }
0x78: {  	_ =	shalt  }
0x79: {  	_ =	shalt  }
0x7a: {  	_ =	shalt  }
0x7b: {  	_ =	shalt  }
0x7c: {  	_ =	shalt  }
0x7d: {  	_ =	shalt  }
0x7e: {  	_ =	shalt  }
0x7f: {  	_ =	shalt  }
0x80: {  	_ =	shalt  }
0x81: {  	_ =	shalt  }
0x82: {  	_ =	shalt  }
0x83: {  	_ =	shalt  }
0x84: {  	_ =	shalt  }
0x85: {  	_ =	shalt  }
0x86: {  	_ =	shalt  }
0x87: {  	_ =	shalt  }
.Lfunc_end0:
.L_simem_size_0:
called_computation_lowered:
.L_overlay_start_0:
0x88: {  	s2 =	sld [smem:$0x3FD9]  }
0x89: {  	s3 =	sld [smem:$0x3FFE];
	_ =	sdelay $0x1  }
0x8a: {  	s1 =	srdreg.scid  }
0x8b: {  	s0 =	sand.u32 $0x1, s1  }
0x8c: {  	s18 =	sshll.u32 s0, $0xA;
	s2 =	sadd.s32 s3, s2  }
0x8d: {  	s2 =	sadd.s32 s2, s18  }
0x8e: {  	[smem:$0x3FC6] =	sst s2  }
0x8f: {  	_ = 	snop  }
0x90: {  	s2 =	sld [smem:$0x3FC9]  }
0x91: {  	s19 =	sld [smem:$0x3FC8]  }
0x92: {  	s4 =	sld [smem:$0x3FD0];
	(tm) =	ssettm $0x1  }
0x93: {  	s5 =	sld [smem:$0x3FFB];
	_ =	sdelay $0x3  }
0x94: {  	_ =	strace s5  }
0x95: {  	s5 =	sld [smem:$0x3FFC];
	_ =	sdelay $0x3  }
0x96: {  	_ =	strace s5  }
0x97: {  	s5 =	sld [smem:$0x3FFD];
	_ =	sdelay $0x3  }
0x98: {  	_ =	strace s5  }
0x99: {  	_ =	strace $0x8FFFFFFF  }
0x9a: {  	s20 =	sld [smem:$0x3FDB];
	_ =	sdelay $0x1  }
0x9b: {  	s6 =	simm.s32 $_scs_section_size  }
0x9c: {  	s7 =	simm.s32 $_size__tile_overlayer_lowered;
	s8 =	simm.s32 $_tile_overlayer_lowered  }
0x9d: {  	s23 =	simm.s32 $0x1BFF;
	s22 =	sshll.u32 s8, $0x1;
	s5 =	sadd.s32 s6, s20  }
0x9e: {  	s9 =	simm.s32 $0x0;
	s21 =	sshll.u32 s7, $0x1;
	s7 =	sadd.s32 s22, s5  }
0x9f: {  	[timem:s9], [sflag:s23] =	dma.local [hbm:s7], s21  }
0xa0: {  	_ =	swait.ge [sflag:s23], s21  }
0xa1: {  	s6 =	ssub.s32 $0x0, s21;
	[sflag:s23] =	ssyncset.done $0x0  }
0xa2: {  	[sflag:s23] =	ssyncadd.s32 s6;
	_ =	sdelay $0x1  }
0xa3: {  	s24 =	simm.s32 $0x1B8B  }
0xa4: {  	_ =	swait.ge [sflag:s24], $0x1  }
0xa5: {  	[sflag:s24] =	ssyncset.done $0x0  }
0xa6: {  	s25 =	simm.s32 $0x1B8E;
	[sflag:s24] =	ssyncadd.s32 $0xFFFFFFFF  }
0xa7: {  	s26 =	simm.s32 $execute0_lowered;
	[smem:$0x3FD2] =	sst s25  }
0xa8: {  	s6 =	sshll.u32 s26, $0x1;
	_ =	strace $0x80000046;
	[dreg:$0x1] =	wrdreg $0xFFFFFFFF  }
0xa9: {  	s28 =	simm.s32 $_size_execute0_lowered;
	s5 =	sadd.s32 s5, s6;
	[dreg:$0x0] =	wrdreg $0x0  }
0xaa: {  	s6 =	sshll.u32 s28, $0x1;
	[dreg:$0x2] =	wrdreg s5  }
0xab: {  	[dreg:$0x3] =	wrdreg s6  }
0xac: {  	[dreg:$0x4] =	wrdreg $0xC0  }
0xad: {  	_ =	task [dreg:s9], $0x5FFFF  }
0xae: {  	[dreg:$0x1] =	wrdreg $0xFFFFFFFF  }
0xaf: {  	[dreg:$0x0] =	wrdreg $0x60  }
0xb0: {  	[dreg:$0x2] =	wrdreg s2  }
0xb1: {  	[dreg:$0x3] =	wrdreg s19  }
0xb2: {  	[dreg:$0x4] =	wrdreg s4  }
0xb3: {  	[dreg:$0x5] =	wrdreg $0x1BB000  }
0xb4: {  	[dreg:$0x6] =	wrdreg $0x9  }
0xb5: {  	_ =	task.clear_ibuf [dreg:s9], $0x7FFFF;
	_ =	strace $0x90000046  }
0xb6: {  	s29 =	simm.s32 $0x9;
	_ =	strace $0x80000048  }
0xb7: {  	_ =	swait.ge [sflag:s29], $0x1  }
0xb8: {  	[sflag:s29] =	ssyncadd.s32 $0xFFFFFFFF  }
0xb9: {  	_ =	strace $0x90000048  }
0xba: {  	_ =	sfence  }
0xbb: {  	s30 =	sld [smem:$0x0];
	_ =	sdelay $0x2  }
0xbc: {  	s31 =	sshll.u32 s1, $0xD;
	s1 =	sshrl.u32 s1, $0x2  }
0xbd: {  	s3 =	sand.u32 $0x4000, s31;
	s1 =	sadd.s32 s1, s30  }
0xbe: {  	s0 =	sor.u32 s3, s0;
	s1 =	sshll.u32 s1, $0x11  }
0xbf: {  	s0 =	sor.u32 s1, s0  }
0xc0: {  	s0 =	sadd.s32 $0x8F2B, s0  }
0xc1: {  	[sflag:s0] =	ssyncadd.remote.s32 $0x1  }
0xc2: {  	_ =	sfence.sel $0xFFFF  }
0xc3: {  	[dreg:$0x0] =	wrdreg $0xFFFFFFFF;
	(pc) =	sbr.abs _section_cstart, $3  }
0xc4: {  	[dreg:$0x1] =	wrdreg $0xFFFFFFFF  }
0xc5: {  	_ =	task.clear_ibuf [dreg:s9], $0x2FFFF;
	_ =	strace $0x9FFFFFFF  }
0xc6: {  	(tm) =	ssettm $0x7FFFFFFF  }
0xc7: {  	_ =	shalt  }
tec
execute0_lowered:
.L_overlay_start_1:
0x0: {  	(tag) =	ssettag $0x1  }
0x1: {  	s0 =	rddreg [dreg:$0x0]  }
0x2: {  	s1 =	rddreg [dreg:$0x1]  }
0x3: {  	s3 =	rddreg [dreg:$0x2]  }
0x4: {  	s4 =	rddreg [dreg:$0x3]  }
0x5: {  	s2 =	simm.s32 $0x0;
	s5 =	srdreg.scid;
	s15 =	stileid.u32  }
0x6: {  	[smem:$0x7FF] =	sst s2;
	s5 =	sand.u32 $0x1, s5;
	s7 =	smul.u32 $0x9C40, s15  }
0x7: {  	s8 =	sshll.u32 s15, $0x6;
	s31 =	sshll.u32 s15, $0xE;
	s11 =	sor.u32 $0x10, s15  }
0x8: {  	s13 =	sshll.u32 s15, $0x7;
	s20 =	sshll.u32 s15, $0xD;
	s6 =	ssub.s32 $0x2, s5  }
0x9: {  	_ =	strace $0x80000047;
	s22 =	sand.u32 $0x40, s8;
	s10 =	sand.u32 $0x20000, s31  }
0xa: {  	s12 =	sshll.u32 s5, $0x10;
	s9 =	sshrl.u32 s6, $0x1;
	s30 =	ssub.s32 s7, s22  }
0xb: {  	s14 =	smul.u32 $0x9C40, s11;
	s9 =	ssub.s32 s6, s9;
	s6 =	sshrl.u32 s30, $0x3  }
0xc: {  	s13 =	sand.u32 $0x380, s13;
	s10 =	sor.u32 s10, s12;
	s6 =	sand.u32 $0x1FFFFFF0, s6  }
0xd: {  	s10 =	sor.u32 s13, s10;
	s16 =	ssub.s32 s14, s22;
	s6 =	sadd.s32 s1, s6  }
0xe: {  	[dreg:$0x5] =	wrdreg s6;
	s6 =	sshrl.u32 s10, $0x3;
	s10 =	sshrl.u32 s16, $0x3  }
0xf: {  	s7 =	sshrl.u32 s31, $0x2;
	s6 =	sadd.s32 s0, s6;
	s17 =	sand.u32 $0x3FFF0, s10  }
0x10: {  	[dreg:$0x6] =	wrdreg s6;
	s1 =	sadd.s32 s1, s17;
	s6 =	sand.u32 $0x10000, s20  }
0x11: {  	s17 =	smax.u32 s9, $0x1;
	[dreg:$0x7] =	wrdreg s1;
	s21 =	sadd.s32 s6, s4  }
0x12: {  	s6 =	sadd.s32 s7, s4;
	[dreg:$0x19] =	wrdreg s17;
	s23 =	sadd.s32 s13, s21  }
0x13: {  	s24 =	sadd.s32 $0x80, s6;
	[dreg:$0x9] =	wrdreg s23  }
0x14: {  	s25 =	sadd.s32 $0x100, s6;
	[dreg:$0xa] =	wrdreg s24  }
0x15: {  	s26 =	sadd.s32 $0x180, s6;
	[dreg:$0xb] =	wrdreg s25  }
0x16: {  	s28 =	sadd.s32 $0x200, s6;
	[dreg:$0xc] =	wrdreg s26  }
0x17: {  	s29 =	sadd.s32 $0x280, s6;
	[dreg:$0xd] =	wrdreg s28  }
0x18: {  	s30 =	sadd.s32 $0x300, s6;
	[dreg:$0xe] =	wrdreg s29  }
0x19: {  	s31 =	sadd.s32 $0x380, s6;
	[dreg:$0xf] =	wrdreg s30  }
0x1a: {  	s11 =	sshll.u32 s11, $0xE;
	s4 =	sadd.s32 $0x10080, s6;
	[dreg:$0x10] =	wrdreg s31  }
0x1b: {  	s18 =	sand.u32 $0x60000, s11;
	s7 =	sadd.s32 $0x10100, s6;
	[dreg:$0x12] =	wrdreg s4  }
0x1c: {  	s19 =	sor.u32 s18, s12;
	s10 =	sadd.s32 $0x10180, s6;
	[dreg:$0x13] =	wrdreg s7  }
0x1d: {  	s1 =	sor.u32 s13, s19;
	s13 =	sadd.s32 $0x10200, s6;
	[dreg:$0x14] =	wrdreg s10  }
0x1e: {  	s14 =	sadd.s32 $0x10280, s6;
	[dreg:$0x15] =	wrdreg s13  }
0x1f: {  	s16 =	sadd.s32 $0x10300, s6;
	[dreg:$0x16] =	wrdreg s14  }
0x20: {  	s18 =	sadd.s32 $0x10380, s6;
	[dreg:$0x18] =	wrdreg s16  }
0x21: {  	s19 =	sadd.s32 $0x400, s6;
	[dreg:$0x1a] =	wrdreg s18  }
0x22: {  	s20 =	sadd.s32 $0x800, s6;
	[dreg:$0x1b] =	wrdreg s19  }
0x23: {  	s21 =	sadd.s32 $0xC00, s6;
	[dreg:$0x1c] =	wrdreg s20  }
0x24: {  	s12 =	sadd.s32 s3, s8;
	s3 =	sadd.s32 $0x600, s6;
	[dreg:$0x1d] =	wrdreg s21  }
0x25: {  	s11 =	sshll.u32 s5, $0xA;
	s5 =	sadd.s32 $0xE00, s6;
	[smem:$0x7E4] =	sst s3  }
0x26: {  	s8 =	sadd.s32 $0xA80, s6;
	[smem:$0x7E6] =	sst s5  }
0x27: {  	s9 =	sadd.s32 $0xE80, s6;
	[smem:$0x7E8] =	sst s8  }
0x28: {  	p0 =	sgt.u32 s15, $0x9;
	s15 =	sadd.s32 $0xF80, s6;
	[smem:$0x7E9] =	sst s9  }
0x29: {  	s1 =	sshrl.u32 s1, $0x3;
	s17 =	sadd.s32 $0x10800, s6;
	[smem:$0x7EF] =	sst s15  }
0x2a: {  	s0 =	sadd.s32 s0, s1;
	[smem:$0x7F1] =	sst s17  }
0x2b: {  	s1 =	sadd.s32 $0x10000, s6;
	[dreg:$0x8] =	wrdreg s0  }
0x2c: {  	s23 =	sadd.s32 $0x480, s6;
	[dreg:$0x11] =	wrdreg s1  }
0x2d: {  	s24 =	sadd.s32 $0x880, s6;
	[dreg:$0x1e] =	wrdreg s23  }
0x2e: {  	s25 =	sadd.s32 $0xC80, s6;
	[dreg:$0x1f] =	wrdreg s24  }
0x2f: {  	s26 =	sadd.s32 $0x500, s6;
	[smem:$0x7DD] =	sst s25  }
0x30: {  	s28 =	sadd.s32 $0x900, s6;
	[smem:$0x7DE] =	sst s26  }
0x31: {  	s29 =	sadd.s32 $0xD00, s6;
	[smem:$0x7DF] =	sst s28  }
0x32: {  	s30 =	sadd.s32 $0x580, s6;
	[smem:$0x7E0] =	sst s29  }
0x33: {  	s31 =	sadd.s32 $0x980, s6;
	[smem:$0x7E1] =	sst s30  }
0x34: {  	s4 =	sadd.s32 $0xA00, s6;
	[smem:$0x7E2] =	sst s31  }
0x35: {  	s7 =	sadd.s32 $0x680, s6;
	[smem:$0x7E5] =	sst s4  }
0x36: {  	s10 =	sadd.s32 $0x700, s6;
	[smem:$0x7E7] =	sst s7  }
0x37: {  	s13 =	sadd.s32 $0x780, s6;
	[smem:$0x7EA] =	sst s10  }
0x38: {  	s14 =	sadd.s32 $0xB80, s6;
	[smem:$0x7ED] =	sst s13  }
0x39: {  	s16 =	sadd.s32 $0x10400, s6;
	[smem:$0x7EE] =	sst s14  }
0x3a: {  	s18 =	sadd.s32 $0x10C00, s6;
	[smem:$0x7F0] =	sst s16  }
0x3b: {  	s19 =	sadd.s32 $0x10480, s6;
	[smem:$0x7F2] =	sst s18  }
0x3c: {  	s20 =	sadd.s32 $0x10880, s6;
	[smem:$0x7F3] =	sst s19  }
0x3d: {  	v0 =	vmov s22;
	s22 =	simm.s32 $0x5;
	s21 =	sadd.s32 $0x10C80, s6;
	[smem:$0x7F4] =	sst s20  }
0x3e: {  	s5 =	sadd.s32 $0x10E00, s6;
	s0 =	sadd.s32 s11, s12;
	[smem:$0x7F5] =	sst s21  }
0x3f: {  	s8 =	sadd.s32 $0x10A80, s6;
	s1 =	sadd.s32 $0xD80, s6;
	[dreg:$0x17] =	wrdreg s0  }
0x40: {  	s9 =	sadd.s32 $0x10E80, s6;
	s11 =	sadd.s32 $0xB00, s6;
	[smem:$0x7E3] =	sst s1  }
0x41: {  	s15 =	sadd.s32 $0x10F80, s6;
	s12 =	sadd.s32 $0xF00, s6;
	[smem:$0x7EB] =	sst s11  }
0x42: {  	s17 =	simm.s32 $0x400;
	s23 =	sadd.s32 $0x10500, s6;
	[smem:$0x7EC] =	sst s12  }
0x43: {  	s24 =	sadd.s32 $0x10900, s6;
	s25 =	sadd.s32 $0x10D00, s6;
	[smem:$0x7F6] =	sst s23  }
0x44: {  	s26 =	sadd.s32 $0x10580, s6;
	s28 =	sadd.s32 $0x10980, s6;
	[smem:$0x7F7] =	sst s24  }
0x45: {  	s29 =	sadd.s32 $0x10D80, s6;
	s30 =	sadd.s32 $0x10600, s6;
	[smem:$0x7F8] =	sst s25  }
0x46: {  	s31 =	sadd.s32 $0x10A00, s6;
	s7 =	sadd.s32 $0x10680, s6;
	[smem:$0x7F9] =	sst s26  }
0x47: {  	s10 =	sadd.s32 $0x10700, s6;
	s13 =	sadd.s32 $0x10780, s6;
	[smem:$0x7FA] =	sst s28  }
0x48: {  	s14 =	sadd.s32 $0x10B80, s6;
	s16 =	simm.s32 $0x80;
	[smem:$0x7FB] =	sst s29  }
0x49: {  	s18 =	simm.s32 $0x1;
	s19 =	simm.s32 $0x3;
	[smem:$0x7FC] =	sst s30  }
0x4a: {  	s20 =	simm.s32 $0x9C80;
	s21 =	simm.s32 $0x6;
	[smem:$0x7FD] =	sst s31  }
0x4b: {  	s11 =	sadd.s32 $0x10B00, s6;
	s12 =	sadd.s32 $0x10F00, s6;
	s23 =	simm.s32 $0x0  }
.LBB2_1:
0x4c: {  	s0 =	rddreg [dreg:$0x5]  }
0x4d: {  	s30 =	rddreg [dreg:$0x6]  }
0x4e: {  	[tilespmem:s2], [sflag:$0x1] =	stream.linear.gather [hbm4b:s0+s2], $0x9C80, $0x38;
	[tilespmem:$0x1DB00] =	vst v63  }
0x4f: {  	s1 =	simm.s32 $0x13900;
	s3 =	rddreg [dreg:$0x7]  }
0x50: {  	[tilespmem:s1], [sflag:$0x3] =	stream.strided.gather [hbm4b:s30+s16], $0x2000, s17, s16, $0x38;
	[tilespmem:$0x1DB00] =	vst v63  }
0x51: {  	s4 =	rddreg [dreg:$0x8];
	s0 =	simm.s32 @!p0 $0x0;
	s1 =	simm.s32 @!p0 $0x9C80  }
0x52: {  	[tilespmem:s1], [sflag:$0x2] =	stream.linear.gather @!p0 [hbm4b:s3+s0], $0x9C80, $0x38;
	[tilespmem:$0x1DB00] =	vst v63  }
0x53: {  	s0 =	simm.s32 @!p0 $0x80;
	s1 =	simm.s32 @!p0 $0x400;
	s3 =	simm.s32 @!p0 $0x15900  }
0x54: {  	[tilespmem:s3], [sflag:$0x4] =	stream.strided.gather @!p0 [hbm4b:s4+s0], $0x2000, s1, s0, $0x38;
	[tilespmem:$0x1DB00] =	vst v63  }
0x55: {  	_ =	swait.ge [sflag:s18], $0x9C80  }
0x56: {  	[sflag:s18] =	ssyncset.done $0x0  }
0x57: {  	[sflag:s18] =	ssyncadd.s32 $0xFFFF6380  }
0x58: {  	_ =	swait.ge [sflag:s19], $0x2000  }
0x59: {  	[sflag:s19] =	ssyncset.done $0x0  }
0x5a: {  	s31 =	simm.s32 $0x13940;
	[sflag:s19] =	ssyncadd.s32 $0xFFFFE000  }
0x5b: {  	v1 =	vld [tilespmem:s31+$0x30]  }
0x5c: {  	v2 =	vld [tilespmem:s31+$0xFFFFFFD0]  }
0x5d: {  	v3 =	vld [tilespmem:s31+$0xFFFFFFE0]  }
0x5e: {  	v4 =	vld [tilespmem:s31+$0xFFFFFFF0]  }
0x5f: {  	v5 =	vld [tilespmem:s31+$0x0]  }
0x60: {  	v6 =	vld [tilespmem:s31+$0x10];
	v1 =	vadd.s32 v0, v1  }
0x61: {  	v2 =	vadd.s32 v0, v2  }
0x62: {  	v3 =	vadd.s32 v0, v3  }
0x63: {  	v7 =	vld [tilespmem:s31+$0x20];
	v4 =	vadd.s32 v0, v4  }
0x64: {  	v9 =	vld [tilespmem:s31+$0xFFFFFFC0];
	v10 =	vadd.s32 v0, v5  }
0x65: {  	v11 =	vadd.s32 v0, v6;
	v8 =	vld.idx.msk [tilespmem:v1+s2+$0x0], $0xffff  }
0x66: {  	v5 =	vld.idx.msk [tilespmem:v2+s2+$0x0], $0xffff  }
0x67: {  	v6 =	vld.idx.msk [tilespmem:v3+s2+$0x0], $0xffff  }
0x68: {  	v4 =	vld.idx.msk [tilespmem:v4+s2+$0x0], $0xffff  }
0x69: {  	v3 =	vld.idx.msk [tilespmem:v10+s2+$0x0], $0xffff  }
0x6a: {  	s24 =	simm.s32 $0x139C0;
	s0 =	simm.s32 $0x17940;
	s1 =	simm.s32 $0x0;
	v1 =	vadd.s32 v0, v7;
	v2 =	vadd.s32 v0, v9;
	v7 =	vld.idx.msk [tilespmem:v11+s2+$0x0], $0xffff  }
.LBB2_2:
0x6b: {  	v9 =	vld [tilespmem:s24+$0x30];
	s1 =	sadd.s32 $0x8, s1;
	[tilespmem:s0+$0x30] =	vst v8  }
0x6c: {  	v8 =	vld [tilespmem:s24+$0xFFFFFFD0];
	p1 =	slt.u32 s1, $0x1F8;
	[tilespmem:s0+$0xFFFFFFD0] =	vst v5  }
0x6d: {  	v5 =	vld [tilespmem:s24+$0xFFFFFFE0];
	[tilespmem:s0+$0xFFFFFFE0] =	vst v6  }
0x6e: {  	v6 =	vld [tilespmem:s24+$0xFFFFFFF0];
	[tilespmem:s0+$0xFFFFFFF0] =	vst v4  }
0x6f: {  	v4 =	vld [tilespmem:s24+$0x0];
	[tilespmem:s0+$0x0] =	vst v3  }
0x70: {  	v3 =	vld [tilespmem:s24+$0x10];
	v9 =	vadd.s32 v0, v9;
	[tilespmem:s0+$0x10] =	vst v7  }
0x71: {  	v7 =	vadd.s32 v0, v8;
	v10 =	vld [tilespmem:s24+$0x20]  }
0x72: {  	v11 =	vld [tilespmem:s24+$0xFFFFFFC0];
	v12 =	vadd.s32 v0, v5  }
0x73: {  	v13 =	vadd.s32 v0, v6;
	v14 =	vld.idx.msk [tilespmem:v2+s2+$0x0], $0xffff  }
0x74: {  	v15 =	vadd.s32 v0, v4;
	v16 =	vld.idx.msk [tilespmem:v1+s2+$0x0], $0xffff  }
0x75: {  	v17 =	vadd.s32 v0, v3;
	v8 =	vld.idx.msk [tilespmem:v9+s2+$0x0], $0xffff  }
.Ltmp0:
0x76: {  	v5 =	vld.idx.msk [tilespmem:v7+s2+$0x0], $0xffff;
	v1 =	vadd.s32 v0, v10;
	(pc) =	sbr.rel @p1 .LBB2_2-.Ltmp0, $4  }
0x77: {  	v2 =	vadd.s32 v0, v11;
	v6 =	vld.idx.msk [tilespmem:v12+s2+$0x0], $0xffff  }
0x78: {  	v4 =	vld.idx.msk [tilespmem:v13+s2+$0x0], $0xffff  }
0x79: {  	v3 =	vld.idx.msk [tilespmem:v15+s2+$0x0], $0xffff;
	[tilespmem:s0+$0xFFFFFFC0] =	vst v14  }
0x7a: {  	s24 =	sadd.s32 $0x80, s24;
	v7 =	vld.idx.msk [tilespmem:v17+s2+$0x0], $0xffff;
	[tilespmem:s0+$0x20] =	vst v16;
	s0 =	sadd.s32 $0x80, s0  }
0x7b: {  	_ =	sdelay $0x2  }
0x7c: {  	[tilespmem:s0+$0x30] =	vst v8  }
0x7d: {  	[tilespmem:s0+$0xFFFFFFD0] =	vst v5;
	v2 =	vld.idx.msk [tilespmem:v2+s2+$0x0], $0xffff  }
0x7e: {  	v1 =	vld.idx.msk [tilespmem:v1+s2+$0x0], $0xffff;
	[tilespmem:s0+$0xFFFFFFE0] =	vst v6  }
.Ltmp1:
0x7f: {  	[tilespmem:s0+$0xFFFFFFF0] =	vst v4;
	(pc) =	sbr.rel @p0 .LBB2_7-.Ltmp1, $4  }
0x80: {  	[tilespmem:s0+$0x0] =	vst v3  }
0x81: {  	[tilespmem:s0+$0x10] =	vst v7  }
0x82: {  	[tilespmem:s0+$0xFFFFFFC0] =	vst v2  }
0x83: {  	[tilespmem:s0+$0x20] =	vst v1  }
0x84: {  	s0 =	simm.s32 $0x2  }
0x85: {  	_ =	swait.ge [sflag:s0], $0x9C80  }
0x86: {  	[sflag:s0] =	ssyncset.done $0x0  }
0x87: {  	s30 =	simm.s32 $0x4;
	[sflag:s0] =	ssyncadd.s32 $0xFFFF6380  }
0x88: {  	_ =	swait.ge [sflag:s30], $0x2000  }
0x89: {  	[sflag:s30] =	ssyncset.done $0x0  }
0x8a: {  	s31 =	simm.s32 $0x15940;
	[sflag:s30] =	ssyncadd.s32 $0xFFFFE000  }
0x8b: {  	v1 =	vld [tilespmem:s31+$0x30]  }
0x8c: {  	v2 =	vld [tilespmem:s31+$0xFFFFFFD0]  }
0x8d: {  	v3 =	vld [tilespmem:s31+$0xFFFFFFE0]  }
0x8e: {  	v4 =	vld [tilespmem:s31+$0xFFFFFFF0]  }
0x8f: {  	v5 =	vld [tilespmem:s31+$0x0]  }
0x90: {  	v6 =	vld [tilespmem:s31+$0x10]  }
0x91: {  	v7 =	vld [tilespmem:s31+$0xFFFFFFC0];
	v1 =	vadd.s32 v0, v1  }
0x92: {  	s0 =	simm.s32 $0x17940;
	v8 =	vld [tilespmem:s31+$0x20];
	v2 =	vadd.s32 v0, v2  }
0x93: {  	v13 =	vld [tilespmem:s0+$0x30];
	v3 =	vadd.s32 v0, v3  }
0x94: {  	v12 =	vld [tilespmem:s0+$0xFFFFFFC0];
	v4 =	vadd.s32 v0, v4  }
0x95: {  	v11 =	vld [tilespmem:s0+$0xFFFFFFD0];
	v9 =	vadd.s32 v0, v5  }
0x96: {  	v7 =	vadd.s32 v0, v7;
	v10 =	vld.idx.msk [tilespmem:v1+s20+$0x0], $0xffff  }
0x97: {  	v1 =	vadd.s32 v0, v6;
	v6 =	vld.idx.msk [tilespmem:v2+s20+$0x0], $0xffff  }
0x98: {  	v5 =	vld.idx.msk [tilespmem:v3+s20+$0x0], $0xffff  }
0x99: {  	v4 =	vld.idx.msk [tilespmem:v4+s20+$0x0], $0xffff  }
0x9a: {  	v2 =	vadd.s32 v0, v8;
	v3 =	vld.idx.msk [tilespmem:v9+s20+$0x0], $0xffff  }
0x9b: {  	v9 =	vld.idx.msk [tilespmem:v7+s20+$0x0], $0xffff  }
0x9c: {  	v8 =	vld [tilespmem:s0+$0xFFFFFFF0]  }
0x9d: {  	v1 =	vld.idx.msk [tilespmem:v1+s20+$0x0], $0xffff  }
0x9e: {  	v7 =	vadd.f32 v13, v10;
	v10 =	vld [tilespmem:s0+$0xFFFFFFE0]  }
0x9f: {  	v2 =	vld.idx.msk [tilespmem:v2+s20+$0x0], $0xffff  }
0xa0: {  	s25 =	simm.s32 $0x0;
	s26 =	simm.s32 $0x159C0;
	s24 =	simm.s32 $0x17940;
	[tilespmem:s0+$0x30] =	vst v7;
	v7 =	vld [tilespmem:s0+$0x0]  }
.LBB2_5:
0xa1: {  	v13 =	vld [tilespmem:s26+$0x30];
	s25 =	sadd.s32 $0x8, s25;
	v9 =	vadd.f32 v12, v9  }
0xa2: {  	v12 =	vld [tilespmem:s26+$0xFFFFFFD0];
	p1 =	slt.u32 s25, $0x1F8;
	v6 =	vadd.f32 v11, v6  }
0xa3: {  	v11 =	vld [tilespmem:s26+$0xFFFFFFE0];
	[tilespmem:s0+$0xFFFFFFC0] =	vst v9;
	v5 =	vadd.f32 v10, v5  }
0xa4: {  	v9 =	vld [tilespmem:s26+$0xFFFFFFF0];
	[tilespmem:s0+$0xFFFFFFD0] =	vst v6;
	v4 =	vadd.f32 v8, v4  }
0xa5: {  	v6 =	vld [tilespmem:s26+$0x0];
	[tilespmem:s0+$0xFFFFFFE0] =	vst v5;
	v3 =	vadd.f32 v7, v3  }
0xa6: {  	v5 =	vld [tilespmem:s26+$0x10];
	v7 =	vadd.s32 v0, v13;
	[tilespmem:s0+$0xFFFFFFF0] =	vst v4  }
0xa7: {  	v4 =	vadd.s32 v0, v12;
	v8 =	vld [tilespmem:s26+$0x20];
	[tilespmem:s0+$0x0] =	vst v3  }
0xa8: {  	v3 =	vld [tilespmem:s26+$0xFFFFFFC0];
	v10 =	vadd.s32 v0, v11  }
0xa9: {  	v9 =	vadd.s32 v0, v9;
	v11 =	vld [tilespmem:s0+$0x10]  }
0xaa: {  	v12 =	vadd.s32 v0, v6;
	v13 =	vld [tilespmem:s0+$0x20]  }
0xab: {  	s0 =	sadd.s32 $0x80, s0;
	v14 =	vadd.s32 v0, v5;
	v7 =	vld.idx.msk [tilespmem:v7+s20+$0x0], $0xffff  }
0xac: {  	v8 =	vadd.s32 v0, v8;
	v15 =	vld [tilespmem:s0+$0x30]  }
0xad: {  	v16 =	vadd.s32 v0, v3;
	v6 =	vld.idx.msk [tilespmem:v4+s20+$0x0], $0xffff  }
0xae: {  	v5 =	vld.idx.msk [tilespmem:v10+s20+$0x0], $0xffff;
	v1 =	vadd.f32 v11, v1  }
0xaf: {  	v4 =	vld.idx.msk [tilespmem:v9+s20+$0x0], $0xffff;
	v2 =	vadd.f32 v13, v2  }
0xb0: {  	v3 =	vld.idx.msk [tilespmem:v12+s20+$0x0], $0xffff;
	[tilespmem:s24+$0x10] =	vst v1  }
0xb1: {  	v1 =	vld.idx.msk [tilespmem:v14+s20+$0x0], $0xffff;
	v7 =	vadd.f32 v15, v7;
	[tilespmem:s24+$0x20] =	vst v2;
	s24 =	smov.u32 s0  }
0xb2: {  	v9 =	vld.idx.msk [tilespmem:v16+s20+$0x0], $0xffff  }
0xb3: {  	v2 =	vld.idx.msk [tilespmem:v8+s20+$0x0], $0xffff;
	[tilespmem:s0+$0x30] =	vst v7  }
.Ltmp2:
0xb4: {  	v12 =	vld [tilespmem:s0+$0xFFFFFFC0];
	(pc) =	sbr.rel @p1 .LBB2_5-.Ltmp2, $4  }
0xb5: {  	v11 =	vld [tilespmem:s0+$0xFFFFFFD0]  }
0xb6: {  	v10 =	vld [tilespmem:s0+$0xFFFFFFE0]  }
0xb7: {  	v8 =	vld [tilespmem:s0+$0xFFFFFFF0]  }
0xb8: {  	s26 =	sadd.s32 $0x80, s26;
	v7 =	vld [tilespmem:s0+$0x0]  }
0xb9: {  	v9 =	vadd.f32 v12, v9;
	v62 =	vld [tilespmem:s0+$0x10]  }
0xba: {  	v63 =	vld [tilespmem:s0+$0x20];
	v6 =	vadd.f32 v11, v6  }
0xbb: {  	[tilespmem:s0+$0xFFFFFFC0] =	vst v9;
	v5 =	vadd.f32 v10, v5  }
0xbc: {  	[tilespmem:s0+$0xFFFFFFD0] =	vst v6;
	v4 =	vadd.f32 v8, v4  }
0xbd: {  	[tilespmem:s0+$0xFFFFFFE0] =	vst v5;
	v3 =	vadd.f32 v7, v3  }
0xbe: {  	[tilespmem:s0+$0xFFFFFFF0] =	vst v4;
	v1 =	vadd.f32 v62, v1  }
0xbf: {  	v2 =	vadd.f32 v63, v2;
	[tilespmem:s0+$0x0] =	vst v3  }
0xc0: {  	[tilespmem:s24+$0x10] =	vst v1  }
0xc1: {  	[tilespmem:s24+$0x20] =	vst v2  }
.LBB2_7:
0xc2: {  	s0 =	rddreg [dreg:$0x9];
	s1 =	simm.s32 $0x17900  }
0xc3: {  	[spmem:s0] =	stream.strided.scatter [tilespmem:s1], [sflag:$0x6], $0x2000, s17, s16, $0x38;
	[tilespmem:$0x1DB00] =	vst v63  }
0xc4: {  	_ =	swait.ge [sflag:s21], $0x2000  }
0xc5: {  	[sflag:s21] =	ssyncset.done $0x0  }
0xc6: {  	[sflag:s21] =	ssyncadd.s32 $0xFFFFE000  }
0xc7: {  	s24 =	simm.s32 $0x19900;
	[bflag:$0x0] =	sbarrier.arrive $0xFFFF  }
0xc8: {  	[tilespmem:s24], [sflag:$0x5] =	stream.linear.gather [spmem:s6], $0x80, $0x38;
	[tilespmem:$0x1DB00] =	vst v63  }
0xc9: {  	s25 =	rddreg [dreg:$0x1b]  }
0xca: {  	s26 =	simm.s32 $0x19D00;
	s1 =	rddreg [dreg:$0x1c]  }
0xcb: {  	[tilespmem:s26], [sflag:$0x5] =	stream.linear.gather [spmem:s25], $0x80, $0x38;
	[tilespmem:$0x1DB00] =	vst v63  }
0xcc: {  	s3 =	simm.s32 $0x1A100;
	s4 =	rddreg [dreg:$0x1d]  }
0xcd: {  	[tilespmem:s3], [sflag:$0x5] =	stream.linear.gather [spmem:s1], $0x80, $0x38;
	[tilespmem:$0x1DB00] =	vst v63  }
0xce: {  	s16 =	simm.s32 $0x1A500;
	s17 =	rddreg [dreg:$0xa]  }
0xcf: {  	[tilespmem:s16], [sflag:$0x5] =	stream.linear.gather [spmem:s4], $0x80, $0x38;
	[tilespmem:$0x1DB00] =	vst v63  }
0xd0: {  	s24 =	simm.s32 $0x19980;
	s25 =	rddreg [dreg:$0x1e]  }
0xd1: {  	[tilespmem:s24], [sflag:$0x5] =	stream.linear.gather [spmem:s17], $0x80, $0x38;
	[tilespmem:$0x1DB00] =	vst v63  }
0xd2: {  	s26 =	simm.s32 $0x19D80;
	s1 =	rddreg [dreg:$0x1f]  }
0xd3: {  	[tilespmem:s26], [sflag:$0x5] =	stream.linear.gather [spmem:s25], $0x80, $0x38;
	[tilespmem:$0x1DB00] =	vst v63  }
0xd4: {  	s3 =	simm.s32 $0x1A180;
	s4 =	sld [smem:$0x7DD]  }
0xd5: {  	[tilespmem:s3], [sflag:$0x5] =	stream.linear.gather [spmem:s1], $0x80, $0x38;
	[tilespmem:$0x1DB00] =	vst v63  }
0xd6: {  	s16 =	simm.s32 $0x1A580;
	s17 =	rddreg [dreg:$0xb]  }
0xd7: {  	[tilespmem:s16], [sflag:$0x5] =	stream.linear.gather [spmem:s4], $0x80, $0x38;
	[tilespmem:$0x1DB00] =	vst v63  }
0xd8: {  	s24 =	simm.s32 $0x19A00;
	s25 =	sld [smem:$0x7DE]  }
0xd9: {  	[tilespmem:s24], [sflag:$0x5] =	stream.linear.gather [spmem:s17], $0x80, $0x38;
	[tilespmem:$0x1DB00] =	vst v63  }
0xda: {  	s26 =	simm.s32 $0x19E00;
	s1 =	sld [smem:$0x7DF]  }
0xdb: {  	[tilespmem:s26], [sflag:$0x5] =	stream.linear.gather [spmem:s25], $0x80, $0x38;
	[tilespmem:$0x1DB00] =	vst v63  }
0xdc: {  	s3 =	simm.s32 $0x1A200;
	s4 =	sld [smem:$0x7E0]  }
0xdd: {  	[tilespmem:s3], [sflag:$0x5] =	stream.linear.gather [spmem:s1], $0x80, $0x38;
	[tilespmem:$0x1DB00] =	vst v63  }
0xde: {  	s16 =	simm.s32 $0x1A600;
	s17 =	rddreg [dreg:$0xc]  }
0xdf: {  	[tilespmem:s16], [sflag:$0x5] =	stream.linear.gather [spmem:s4], $0x80, $0x38;
	[tilespmem:$0x1DB00] =	vst v63  }
0xe0: {  	s24 =	simm.s32 $0x19A80;
	s25 =	sld [smem:$0x7E1]  }
0xe1: {  	[tilespmem:s24], [sflag:$0x5] =	stream.linear.gather [spmem:s17], $0x80, $0x38;
	[tilespmem:$0x1DB00] =	vst v63  }
0xe2: {  	s26 =	simm.s32 $0x19E80;
	s1 =	sld [smem:$0x7E2]  }
0xe3: {  	[tilespmem:s26], [sflag:$0x5] =	stream.linear.gather [spmem:s25], $0x80, $0x38;
	[tilespmem:$0x1DB00] =	vst v63  }
0xe4: {  	s3 =	simm.s32 $0x1A280;
	s4 =	sld [smem:$0x7E3]  }
0xe5: {  	[tilespmem:s3], [sflag:$0x5] =	stream.linear.gather [spmem:s1], $0x80, $0x38;
	[tilespmem:$0x1DB00] =	vst v63  }
0xe6: {  	s16 =	simm.s32 $0x1A680;
	s17 =	rddreg [dreg:$0xd]  }
0xe7: {  	[tilespmem:s16], [sflag:$0x5] =	stream.linear.gather [spmem:s4], $0x80, $0x38;
	[tilespmem:$0x1DB00] =	vst v63  }
0xe8: {  	s24 =	simm.s32 $0x19B00;
	s25 =	sld [smem:$0x7E4]  }
0xe9: {  	[tilespmem:s24], [sflag:$0x5] =	stream.linear.gather [spmem:s17], $0x80, $0x38;
	[tilespmem:$0x1DB00] =	vst v63  }
0xea: {  	s26 =	simm.s32 $0x19F00;
	s1 =	sld [smem:$0x7E5]  }
0xeb: {  	[tilespmem:s26], [sflag:$0x5] =	stream.linear.gather [spmem:s25], $0x80, $0x38;
	[tilespmem:$0x1DB00] =	vst v63  }
0xec: {  	s3 =	simm.s32 $0x1A300;
	s4 =	sld [smem:$0x7E6]  }
0xed: {  	[tilespmem:s3], [sflag:$0x5] =	stream.linear.gather [spmem:s1], $0x80, $0x38;
	[tilespmem:$0x1DB00] =	vst v63  }
0xee: {  	s16 =	simm.s32 $0x1A700;
	s17 =	rddreg [dreg:$0xe]  }
0xef: {  	[tilespmem:s16], [sflag:$0x5] =	stream.linear.gather [spmem:s4], $0x80, $0x38;
	[tilespmem:$0x1DB00] =	vst v63  }
0xf0: {  	s24 =	simm.s32 $0x19B80;
	s25 =	sld [smem:$0x7E7]  }
0xf1: {  	[tilespmem:s24], [sflag:$0x5] =	stream.linear.gather [spmem:s17], $0x80, $0x38;
	[tilespmem:$0x1DB00] =	vst v63  }
0xf2: {  	s26 =	simm.s32 $0x19F80;
	s1 =	sld [smem:$0x7E8]  }
0xf3: {  	[tilespmem:s26], [sflag:$0x5] =	stream.linear.gather [spmem:s25], $0x80, $0x38;
	[tilespmem:$0x1DB00] =	vst v63  }
0xf4: {  	s3 =	simm.s32 $0x1A380;
	s4 =	sld [smem:$0x7E9]  }
0xf5: {  	[tilespmem:s3], [sflag:$0x5] =	stream.linear.gather [spmem:s1], $0x80, $0x38;
	[tilespmem:$0x1DB00] =	vst v63  }
0xf6: {  	s16 =	simm.s32 $0x1A780;
	s17 =	rddreg [dreg:$0xf]  }
0xf7: {  	[tilespmem:s16], [sflag:$0x5] =	stream.linear.gather [spmem:s4], $0x80, $0x38;
	[tilespmem:$0x1DB00] =	vst v63  }
0xf8: {  	s24 =	simm.s32 $0x19C00;
	s25 =	sld [smem:$0x7EA]  }
0xf9: {  	[tilespmem:s24], [sflag:$0x5] =	stream.linear.gather [spmem:s17], $0x80, $0x38;
	[tilespmem:$0x1DB00] =	vst v63  }
0xfa: {  	s26 =	simm.s32 $0x1A000;
	s1 =	sld [smem:$0x7EB]  }
0xfb: {  	[tilespmem:s26], [sflag:$0x5] =	stream.linear.gather [spmem:s25], $0x80, $0x38;
	[tilespmem:$0x1DB00] =	vst v63  }
0xfc: {  	s3 =	simm.s32 $0x1A400;
	s4 =	sld [smem:$0x7EC]  }
0xfd: {  	[tilespmem:s3], [sflag:$0x5] =	stream.linear.gather [spmem:s1], $0x80, $0x38;
	[tilespmem:$0x1DB00] =	vst v63  }
0xfe: {  	s16 =	simm.s32 $0x1A800;
	s17 =	rddreg [dreg:$0x10]  }
0xff: {  	[tilespmem:s16], [sflag:$0x5] =	stream.linear.gather [spmem:s4], $0x80, $0x38;
	[tilespmem:$0x1DB00] =	vst v63  }
0x100: {  	s24 =	simm.s32 $0x19C80;
	s25 =	sld [smem:$0x7ED]  }
0x101: {  	[tilespmem:s24], [sflag:$0x5] =	stream.linear.gather [spmem:s17], $0x80, $0x38;
	[tilespmem:$0x1DB00] =	vst v63  }
0x102: {  	s26 =	simm.s32 $0x1A080;
	s1 =	sld [smem:$0x7EE]  }
0x103: {  	[tilespmem:s26], [sflag:$0x5] =	stream.linear.gather [spmem:s25], $0x80, $0x38;
	[tilespmem:$0x1DB00] =	vst v63  }
0x104: {  	s3 =	simm.s32 $0x1A480;
	s4 =	sld [smem:$0x7EF]  }
0x105: {  	[tilespmem:s3], [sflag:$0x5] =	stream.linear.gather [spmem:s1], $0x80, $0x38;
	[tilespmem:$0x1DB00] =	vst v63  }
0x106: {  	s16 =	simm.s32 $0x1A880;
	s17 =	rddreg [dreg:$0x11]  }
0x107: {  	[tilespmem:s16], [sflag:$0x5] =	stream.linear.gather [spmem:s4], $0x80, $0x38;
	[tilespmem:$0x1DB00] =	vst v63  }
0x108: {  	s24 =	simm.s32 $0x1A900;
	s25 =	sld [smem:$0x7F0]  }
0x109: {  	[tilespmem:s24], [sflag:$0x5] =	stream.linear.gather [spmem:s17], $0x80, $0x38;
	[tilespmem:$0x1DB00] =	vst v63  }
0x10a: {  	s26 =	simm.s32 $0x1AD00;
	s1 =	sld [smem:$0x7F1]  }
0x10b: {  	[tilespmem:s26], [sflag:$0x5] =	stream.linear.gather [spmem:s25], $0x80, $0x38;
	[tilespmem:$0x1DB00] =	vst v63  }
0x10c: {  	s3 =	simm.s32 $0x1B100;
	s4 =	sld [smem:$0x7F2]  }
0x10d: {  	[tilespmem:s3], [sflag:$0x5] =	stream.linear.gather [spmem:s1], $0x80, $0x38;
	[tilespmem:$0x1DB00] =	vst v63  }
0x10e: {  	s16 =	simm.s32 $0x1B500;
	s17 =	rddreg [dreg:$0x12]  }
0x10f: {  	[tilespmem:s16], [sflag:$0x5] =	stream.linear.gather [spmem:s4], $0x80, $0x38;
	[tilespmem:$0x1DB00] =	vst v63  }
0x110: {  	s24 =	simm.s32 $0x1A980;
	s25 =	sld [smem:$0x7F3]  }
0x111: {  	[tilespmem:s24], [sflag:$0x5] =	stream.linear.gather [spmem:s17], $0x80, $0x38;
	[tilespmem:$0x1DB00] =	vst v63  }
0x112: {  	s26 =	simm.s32 $0x1AD80;
	s1 =	sld [smem:$0x7F4]  }
0x113: {  	[tilespmem:s26], [sflag:$0x5] =	stream.linear.gather [spmem:s25], $0x80, $0x38;
	[tilespmem:$0x1DB00] =	vst v63  }
0x114: {  	s3 =	simm.s32 $0x1B180;
	s4 =	sld [smem:$0x7F5]  }
0x115: {  	[tilespmem:s3], [sflag:$0x5] =	stream.linear.gather [spmem:s1], $0x80, $0x38;
	[tilespmem:$0x1DB00] =	vst v63  }
0x116: {  	s16 =	simm.s32 $0x1B580;
	s17 =	rddreg [dreg:$0x13]  }
0x117: {  	[tilespmem:s16], [sflag:$0x5] =	stream.linear.gather [spmem:s4], $0x80, $0x38;
	[tilespmem:$0x1DB00] =	vst v63  }
0x118: {  	s24 =	simm.s32 $0x1AA00;
	s25 =	sld [smem:$0x7F6]  }
0x119: {  	[tilespmem:s24], [sflag:$0x5] =	stream.linear.gather [spmem:s17], $0x80, $0x38;
	[tilespmem:$0x1DB00] =	vst v63  }
0x11a: {  	s26 =	simm.s32 $0x1AE00;
	s1 =	sld [smem:$0x7F7]  }
0x11b: {  	[tilespmem:s26], [sflag:$0x5] =	stream.linear.gather [spmem:s25], $0x80, $0x38;
	[tilespmem:$0x1DB00] =	vst v63  }
0x11c: {  	s3 =	simm.s32 $0x1B200;
	s4 =	sld [smem:$0x7F8]  }
0x11d: {  	[tilespmem:s3], [sflag:$0x5] =	stream.linear.gather [spmem:s1], $0x80, $0x38;
	[tilespmem:$0x1DB00] =	vst v63  }
0x11e: {  	s16 =	simm.s32 $0x1B600;
	s17 =	rddreg [dreg:$0x14]  }
0x11f: {  	[tilespmem:s16], [sflag:$0x5] =	stream.linear.gather [spmem:s4], $0x80, $0x38;
	[tilespmem:$0x1DB00] =	vst v63  }
0x120: {  	s24 =	simm.s32 $0x1AA80;
	s25 =	sld [smem:$0x7F9]  }
0x121: {  	[tilespmem:s24], [sflag:$0x5] =	stream.linear.gather [spmem:s17], $0x80, $0x38;
	[tilespmem:$0x1DB00] =	vst v63  }
0x122: {  	s26 =	simm.s32 $0x1AE80;
	s1 =	sld [smem:$0x7FA]  }
0x123: {  	[tilespmem:s26], [sflag:$0x5] =	stream.linear.gather [spmem:s25], $0x80, $0x38;
	[tilespmem:$0x1DB00] =	vst v63  }
0x124: {  	s3 =	simm.s32 $0x1B280;
	s4 =	sld [smem:$0x7FB]  }
0x125: {  	[tilespmem:s3], [sflag:$0x5] =	stream.linear.gather [spmem:s1], $0x80, $0x38;
	[tilespmem:$0x1DB00] =	vst v63  }
0x126: {  	s16 =	simm.s32 $0x1B680;
	s17 =	rddreg [dreg:$0x15]  }
0x127: {  	[tilespmem:s16], [sflag:$0x5] =	stream.linear.gather [spmem:s4], $0x80, $0x38;
	[tilespmem:$0x1DB00] =	vst v63  }
0x128: {  	s24 =	simm.s32 $0x1AB00;
	s25 =	sld [smem:$0x7FC]  }
0x129: {  	[tilespmem:s24], [sflag:$0x5] =	stream.linear.gather [spmem:s17], $0x80, $0x38;
	[tilespmem:$0x1DB00] =	vst v63  }
0x12a: {  	s26 =	simm.s32 $0x1AF00;
	s3 =	sld [smem:$0x7FD]  }
0x12b: {  	[tilespmem:s26], [sflag:$0x5] =	stream.linear.gather [spmem:s25], $0x80, $0x38;
	[tilespmem:$0x1DB00] =	vst v63  }
0x12c: {  	s4 =	simm.s32 $0x1B300  }
0x12d: {  	[tilespmem:s4], [sflag:$0x5] =	stream.linear.gather [spmem:s3], $0x80, $0x38;
	[tilespmem:$0x1DB00] =	vst v63  }
0x12e: {  	s16 =	simm.s32 $0x1B700  }
0x12f: {  	[tilespmem:s16], [sflag:$0x5] =	stream.linear.gather [spmem:s5], $0x80, $0x38;
	[tilespmem:$0x1DB00] =	vst v63  }
0x130: {  	s17 =	rddreg [dreg:$0x16];
	s24 =	simm.s32 $0x1AB80  }
0x131: {  	[tilespmem:s24], [sflag:$0x5] =	stream.linear.gather [spmem:s17], $0x80, $0x38;
	[tilespmem:$0x1DB00] =	vst v63  }
0x132: {  	s25 =	simm.s32 $0x1AF80  }
0x133: {  	[tilespmem:s25], [sflag:$0x5] =	stream.linear.gather [spmem:s7], $0x80, $0x38;
	[tilespmem:$0x1DB00] =	vst v63  }
0x134: {  	s26 =	simm.s32 $0x1B380  }
0x135: {  	[tilespmem:s26], [sflag:$0x5] =	stream.linear.gather [spmem:s8], $0x80, $0x38;
	[tilespmem:$0x1DB00] =	vst v63  }
0x136: {  	s1 =	simm.s32 $0x1B780  }
0x137: {  	[tilespmem:s1], [sflag:$0x5] =	stream.linear.gather [spmem:s9], $0x80, $0x38;
	[tilespmem:$0x1DB00] =	vst v63  }
0x138: {  	s3 =	rddreg [dreg:$0x18];
	s4 =	simm.s32 $0x1AC00  }
0x139: {  	[tilespmem:s4], [sflag:$0x5] =	stream.linear.gather [spmem:s3], $0x80, $0x38;
	[tilespmem:$0x1DB00] =	vst v63  }
0x13a: {  	s16 =	simm.s32 $0x1B000  }
0x13b: {  	[tilespmem:s16], [sflag:$0x5] =	stream.linear.gather [spmem:s10], $0x80, $0x38;
	[tilespmem:$0x1DB00] =	vst v63  }
0x13c: {  	s17 =	simm.s32 $0x1B400  }
0x13d: {  	[tilespmem:s17], [sflag:$0x5] =	stream.linear.gather [spmem:s11], $0x80, $0x38;
	[tilespmem:$0x1DB00] =	vst v63  }
0x13e: {  	s24 =	simm.s32 $0x1B800  }
0x13f: {  	[tilespmem:s24], [sflag:$0x5] =	stream.linear.gather [spmem:s12], $0x80, $0x38;
	[tilespmem:$0x1DB00] =	vst v63  }
0x140: {  	s25 =	rddreg [dreg:$0x1a];
	s26 =	simm.s32 $0x1AC80  }
0x141: {  	[tilespmem:s26], [sflag:$0x5] =	stream.linear.gather [spmem:s25], $0x80, $0x38;
	[tilespmem:$0x1DB00] =	vst v63  }
0x142: {  	s1 =	simm.s32 $0x1B080  }
0x143: {  	[tilespmem:s1], [sflag:$0x5] =	stream.linear.gather [spmem:s13], $0x80, $0x38;
	[tilespmem:$0x1DB00] =	vst v63  }
0x144: {  	s3 =	simm.s32 $0x1B480  }
0x145: {  	[tilespmem:s3], [sflag:$0x5] =	stream.linear.gather [spmem:s14], $0x80, $0x38;
	[tilespmem:$0x1DB00] =	vst v63  }
0x146: {  	s4 =	simm.s32 $0x1B880  }
0x147: {  	[tilespmem:s4], [sflag:$0x5] =	stream.linear.gather [spmem:s15], $0x80, $0x38;
	[tilespmem:$0x1DB00] =	vst v63  }
0x148: {  	_ =	swait.ge [sflag:s22], $0x200  }
0x149: {  	[sflag:s22] =	ssyncset.done $0x0  }
0x14a: {  	[sflag:s22] =	ssyncadd.s32 $0xFFFFFE00  }
0x14b: {  	_ =	swait.ge [sflag:s22], $0x200  }
0x14c: {  	[sflag:s22] =	ssyncset.done $0x0  }
0x14d: {  	[sflag:s22] =	ssyncadd.s32 $0xFFFFFE00  }
0x14e: {  	_ =	swait.ge [sflag:s22], $0x200  }
0x14f: {  	[sflag:s22] =	ssyncset.done $0x0  }
0x150: {  	[sflag:s22] =	ssyncadd.s32 $0xFFFFFE00  }
0x151: {  	_ =	swait.ge [sflag:s22], $0x200  }
0x152: {  	[sflag:s22] =	ssyncset.done $0x0  }
0x153: {  	[sflag:s22] =	ssyncadd.s32 $0xFFFFFE00  }
0x154: {  	_ =	swait.ge [sflag:s22], $0x200  }
0x155: {  	[sflag:s22] =	ssyncset.done $0x0  }
0x156: {  	[sflag:s22] =	ssyncadd.s32 $0xFFFFFE00  }
0x157: {  	_ =	swait.ge [sflag:s22], $0x200  }
0x158: {  	[sflag:s22] =	ssyncset.done $0x0  }
0x159: {  	[sflag:s22] =	ssyncadd.s32 $0xFFFFFE00  }
0x15a: {  	_ =	swait.ge [sflag:s22], $0x200  }
0x15b: {  	[sflag:s22] =	ssyncset.done $0x0  }
0x15c: {  	[sflag:s22] =	ssyncadd.s32 $0xFFFFFE00  }
0x15d: {  	_ =	swait.ge [sflag:s22], $0x200  }
0x15e: {  	[sflag:s22] =	ssyncset.done $0x0  }
0x15f: {  	[sflag:s22] =	ssyncadd.s32 $0xFFFFFE00  }
0x160: {  	_ =	swait.ge [sflag:s22], $0x200  }
0x161: {  	[sflag:s22] =	ssyncset.done $0x0  }
0x162: {  	[sflag:s22] =	ssyncadd.s32 $0xFFFFFE00  }
0x163: {  	_ =	swait.ge [sflag:s22], $0x200  }
0x164: {  	[sflag:s22] =	ssyncset.done $0x0  }
0x165: {  	[sflag:s22] =	ssyncadd.s32 $0xFFFFFE00  }
0x166: {  	_ =	swait.ge [sflag:s22], $0x200  }
0x167: {  	[sflag:s22] =	ssyncset.done $0x0  }
0x168: {  	[sflag:s22] =	ssyncadd.s32 $0xFFFFFE00  }
0x169: {  	_ =	swait.ge [sflag:s22], $0x200  }
0x16a: {  	[sflag:s22] =	ssyncset.done $0x0  }
0x16b: {  	[sflag:s22] =	ssyncadd.s32 $0xFFFFFE00  }
0x16c: {  	_ =	swait.ge [sflag:s22], $0x200  }
0x16d: {  	[sflag:s22] =	ssyncset.done $0x0  }
0x16e: {  	[sflag:s22] =	ssyncadd.s32 $0xFFFFFE00  }
0x16f: {  	_ =	swait.ge [sflag:s22], $0x200  }
0x170: {  	[sflag:s22] =	ssyncset.done $0x0  }
0x171: {  	[sflag:s22] =	ssyncadd.s32 $0xFFFFFE00  }
0x172: {  	_ =	swait.ge [sflag:s22], $0x200  }
0x173: {  	[sflag:s22] =	ssyncset.done $0x0  }
0x174: {  	s29 =	simm.s32 $0x0;
	[sflag:s22] =	ssyncadd.s32 $0xFFFFFE00  }
0x175: {  	s0 =	sand.u32 $0xC00, s29;
	s25 =	sand.u32 $0x60, s29;
	_ =	swait.ge [sflag:s22], $0x200  }
0x176: {  	s16 =	sadd.s32 $0x19900, s0;
	s30 =	sor.u32 $0x10, s25;
	[sflag:s22] =	ssyncset.done $0x0  }
0x177: {  	s3 =	sor.u32 s30, s16;
	[sflag:s22] =	ssyncadd.s32 $0xFFFFFE00  }
0x178: {  	v1 =	vld [tilespmem:s3+$0x0]  }
0x179: {  	s1 =	sor.u32 s25, s16;
	v2 =	vld [tilespmem:s3+$0x80]  }
0x17a: {  	v3 =	vld [tilespmem:s1+$0x0]  }
0x17b: {  	v4 =	vld [tilespmem:s3+$0x100]  }
0x17c: {  	v5 =	vld [tilespmem:s1+$0x80]  }
0x17d: {  	v6 =	vld [tilespmem:s3+$0x180]  }
0x17e: {  	v7 =	vld [tilespmem:s1+$0x100]  }
0x17f: {  	v8 =	vld [tilespmem:s3+$0x200]  }
0x180: {  	v9 =	vld [tilespmem:s1+$0x180]  }
0x181: {  	v10 =	vld [tilespmem:s3+$0x280]  }
0x182: {  	v11 =	vld [tilespmem:s1+$0x200]  }
0x183: {  	v12 =	vld [tilespmem:s3+$0x300]  }
0x184: {  	v13 =	vld [tilespmem:s1+$0x280]  }
0x185: {  	s17 =	sadd.s32 $0x1A900, s0;
	v14 =	vld [tilespmem:s3+$0x380]  }
0x186: {  	s26 =	sor.u32 s30, s17;
	v15 =	vld [tilespmem:s1+$0x300]  }
0x187: {  	s24 =	sadd.s32 $0x1A980, s0;
	v16 =	vld [tilespmem:s26+$0x0]  }
0x188: {  	s4 =	sor.u32 s30, s24;
	v17 =	vld [tilespmem:s1+$0x380]  }
0x189: {  	s17 =	sor.u32 s25, s17;
	v18 =	vld [tilespmem:s4+$0x0]  }
0x18a: {  	s26 =	sadd.s32 $0x1AA00, s0;
	v19 =	vld [tilespmem:s17+$0x0];
	s4 =	sor.u32 s25, s24  }
0x18b: {  	s24 =	sadd.s32 $0x1AA80, s0;
	s3 =	sor.u32 s30, s26;
	v21 =	vld [tilespmem:s4+$0x0]  }
0x18c: {  	s17 =	sor.u32 s30, s24;
	v20 =	vld [tilespmem:s3+$0x0]  }
0x18d: {  	s26 =	sor.u32 s25, s26;
	v22 =	vld [tilespmem:s17+$0x0]  }
0x18e: {  	s4 =	sadd.s32 $0x1AB00, s0;
	s24 =	sor.u32 s25, s24;
	v23 =	vld [tilespmem:s26+$0x0]  }
0x18f: {  	s17 =	sor.u32 s30, s4;
	v25 =	vld [tilespmem:s24+$0x0]  }
0x190: {  	s26 =	sadd.s32 $0x1AB80, s0;
	s4 =	sor.u32 s25, s4;
	v24 =	vld [tilespmem:s17+$0x0]  }
0x191: {  	s16 =	sadd.s32 $0x1AC00, s0;
	s3 =	sor.u32 s30, s26;
	v27 =	vld [tilespmem:s4+$0x0]  }
0x192: {  	s17 =	sor.u32 s30, s16;
	v26 =	vld [tilespmem:s3+$0x0]  }
0x193: {  	s28 =	sadd.s32 $0x1AC80, s0;
	s26 =	sor.u32 s25, s26;
	v28 =	vld [tilespmem:s17+$0x0]  }
0x194: {  	s24 =	simm.s32 $0x20;
	s4 =	simm.s32 $0x100;
	v29 =	vld [tilespmem:s26+$0x0];
	s3 =	sor.u32 s30, s28  }
0x195: {  	s17 =	sor.u32 s25, s16;
	s26 =	sand.u32 $0x60, s24;
	s0 =	sand.u32 $0xC00, s4;
	v1 =	vadd.f32 v2, v1;
	v2 =	vadd.f32 v5, v3;
	v3 =	vld [tilespmem:s3+$0x0]  }
0x196: {  	s16 =	sor.u32 s25, s28;
	s4 =	sadd.s32 $0x19900, s0;
	s25 =	sor.u32 $0x10, s26;
	v5 =	vld [tilespmem:s17+$0x0]  }
0x197: {  	s17 =	sor.u32 s25, s4;
	v1 =	vadd.f32 v4, v1;
	v4 =	vld [tilespmem:s16+$0x0]  }
0x198: {  	v2 =	vadd.f32 v7, v2;
	v7 =	vld [tilespmem:s17+$0x0]  }
0x199: {  	s4 =	sor.u32 s26, s4;
	v1 =	vadd.f32 v6, v1;
	v6 =	vld [tilespmem:s17+$0x80]  }
0x19a: {  	v46 =	vld [tilespmem:s4+$0x0];
	v2 =	vadd.f32 v9, v2  }
0x19b: {  	v1 =	vadd.f32 v8, v1;
	v8 =	vld [tilespmem:s17+$0x100]  }
0x19c: {  	v47 =	vld [tilespmem:s4+$0x80];
	v2 =	vadd.f32 v11, v2  }
0x19d: {  	v48 =	vld [tilespmem:s17+$0x180];
	v1 =	vadd.f32 v10, v1  }
0x19e: {  	v2 =	vadd.f32 v13, v2;
	v6 =	vadd.f32 v6, v7;
	v7 =	vld [tilespmem:s4+$0x100]  }
0x19f: {  	v49 =	vld [tilespmem:s17+$0x200];
	v1 =	vadd.f32 v12, v1  }
0x1a0: {  	v2 =	vadd.f32 v15, v2;
	v6 =	vadd.f32 v8, v6;
	v8 =	vld [tilespmem:s4+$0x180]  }
0x1a1: {  	v50 =	vld [tilespmem:s17+$0x280];
	v9 =	vadd.f32 v47, v46;
	v1 =	vadd.f32 v14, v1  }
0x1a2: {  	v51 =	vld [tilespmem:s4+$0x200];
	v2 =	vadd.f32 v17, v2;
	v6 =	vadd.f32 v48, v6  }
0x1a3: {  	v52 =	vld [tilespmem:s17+$0x300];
	v1 =	vadd.f32 v16, v1;
	v7 =	vadd.f32 v7, v9  }
0x1a4: {  	v53 =	vld [tilespmem:s4+$0x280];
	v2 =	vadd.f32 v19, v2;
	v6 =	vadd.f32 v49, v6  }
0x1a5: {  	s16 =	sadd.s32 $0x1A900, s0;
	v54 =	vld [tilespmem:s17+$0x380];
	v1 =	vadd.f32 v18, v1;
	v7 =	vadd.f32 v8, v7  }
0x1a6: {  	s17 =	sor.u32 s25, s16;
	v2 =	vadd.f32 v21, v2;
	v8 =	vld [tilespmem:s4+$0x300];
	v6 =	vadd.f32 v50, v6  }
0x1a7: {  	s28 =	sadd.s32 $0x1A980, s0;
	v55 =	vld [tilespmem:s17+$0x0];
	v1 =	vadd.f32 v20, v1;
	v7 =	vadd.f32 v51, v7  }
0x1a8: {  	v56 =	vld [tilespmem:s4+$0x380];
	s4 =	sor.u32 s25, s28;
	v2 =	vadd.f32 v23, v2;
	v6 =	vadd.f32 v52, v6  }
0x1a9: {  	s17 =	sor.u32 s26, s16;
	s16 =	sadd.s32 $0x1AA00, s0;
	v57 =	vld [tilespmem:s4+$0x0];
	v1 =	vadd.f32 v22, v1;
	v7 =	vadd.f32 v53, v7  }
0x1aa: {  	v58 =	vld [tilespmem:s17+$0x0];
	s4 =	sor.u32 s25, s16;
	v2 =	vadd.f32 v25, v2;
	v6 =	vadd.f32 v54, v6  }
0x1ab: {  	s17 =	sor.u32 s26, s28;
	s28 =	sadd.s32 $0x1AA80, s0;
	v59 =	vld [tilespmem:s4+$0x0];
	v1 =	vadd.f32 v24, v1;
	v7 =	vadd.f32 v8, v7  }
0x1ac: {  	s4 =	sor.u32 s25, s28;
	v2 =	vadd.f32 v27, v2;
	v8 =	vld [tilespmem:s17+$0x0];
	v6 =	vadd.f32 v55, v6  }
0x1ad: {  	v60 =	vld [tilespmem:s4+$0x0];
	s17 =	sor.u32 s26, s16;
	s16 =	sadd.s32 $0x1AB00, s0;
	v1 =	vadd.f32 v26, v1;
	v7 =	vadd.f32 v56, v7  }
0x1ae: {  	v61 =	vld [tilespmem:s17+$0x0];
	s4 =	sor.u32 s25, s16;
	v2 =	vadd.f32 v29, v2;
	v6 =	vadd.f32 v57, v6  }
0x1af: {  	s31 =	sadd.s32 $0x1AB80, s0;
	s17 =	sor.u32 s26, s28;
	v62 =	vld [tilespmem:s4+$0x0];
	v1 =	vadd.f32 v28, v1;
	v7 =	vadd.f32 v58, v7  }
0x1b0: {  	s28 =	simm.s32 $0x1B900;
	s4 =	sor.u32 s25, s31;
	v5 =	vadd.f32 v5, v2;
	v2 =	vld [tilespmem:s17+$0x0];
	v6 =	vadd.f32 v59, v6  }
0x1b1: {  	s16 =	sor.u32 s26, s16;
	s17 =	sand.u32 $0x180, s29;
	v63 =	vadd.f32 v3, v1;
	v1 =	vld [tilespmem:s4+$0x0];
	s4 =	sadd.s32 $0x1AC00, s0;
	v7 =	vadd.f32 v8, v7  }
0x1b2: {  	s29 =	simm.s32 $0x2;
	s3 =	sor.u32 s30, s17;
	v5 =	vadd.f32 v4, v5;
	v3 =	vld [tilespmem:s16+$0x0];
	v6 =	vadd.f32 v60, v6;
	s30 =	sor.u32 s25, s4  }
0x1b3: {  	s17 =	sor.u32 s26, s31;
	s31 =	simm.s32 $0x40;
	s16 =	sadd.s32 $0x1AC80, s0;
	[tilespmem:s3+$0x1B900] =	vst v63;
	v4 =	vld [tilespmem:s30+$0x0];
	v7 =	vadd.f32 v61, v7  }
0x1b4: {  	s1 =	sor.u32 s26, s4;
	[tilespmem:s28+$0x0] =	vst v5;
	v5 =	vld [tilespmem:s17+$0x0];
	s3 =	sor.u32 s25, s16;
	s30 =	simm.s32 $0x200;
	v6 =	vadd.f32 v62, v6  }
.LBB2_8:
0x1b5: {  	s0 =	sand.u32 $0xC00, s30;
	v2 =	vadd.f32 v2, v7;
	s16 =	sor.u32 s26, s16;
	s26 =	sand.u32 $0x60, s31;
	v7 =	vld [tilespmem:s3+$0x0]  }
0x1b6: {  	s29 =	sadd.s32 $0x2, s29;
	s3 =	sadd.s32 $0x19900, s0;
	s17 =	sor.u32 $0x10, s26;
	v8 =	vld [tilespmem:s1+$0x0];
	v1 =	vadd.f32 v1, v6  }
0x1b7: {  	p1 =	slt.u32 s29, $0x1E;
	s1 =	sor.u32 s26, s3;
	s3 =	sor.u32 s17, s3;
	v2 =	vadd.f32 v3, v2;
	v3 =	vld [tilespmem:s16+$0x0]  }
0x1b8: {  	v6 =	vld [tilespmem:s3+$0x0];
	v1 =	vadd.f32 v4, v1  }
0x1b9: {  	v4 =	vld [tilespmem:s3+$0x80];
	v2 =	vadd.f32 v5, v2  }
0x1ba: {  	s16 =	sand.u32 $0x180, s24;
	s24 =	smov.u32 s31;
	v5 =	vld [tilespmem:s1+$0x0];
	v1 =	vadd.f32 v7, v1  }
0x1bb: {  	s16 =	sor.u32 s25, s16;
	s25 =	smov.u32 s17;
	v7 =	vld [tilespmem:s3+$0x100];
	v2 =	vadd.f32 v8, v2  }
0x1bc: {  	v8 =	vld [tilespmem:s1+$0x80];
	[tilespmem:s16+$0x1B900] =	vst v1  }
0x1bd: {  	v1 =	vld [tilespmem:s3+$0x180];
	v2 =	vadd.f32 v3, v2  }
0x1be: {  	s28 =	sadd.s32 $0x20, s28;
	v3 =	vld [tilespmem:s1+$0x100];
	v4 =	vadd.f32 v4, v6  }
0x1bf: {  	v6 =	vld [tilespmem:s3+$0x200];
	[tilespmem:s28+$0x0] =	vst v2  }
0x1c0: {  	v2 =	vld [tilespmem:s1+$0x180];
	v4 =	vadd.f32 v7, v4  }
0x1c1: {  	v5 =	vadd.f32 v8, v5;
	v7 =	vld [tilespmem:s3+$0x280]  }
0x1c2: {  	v8 =	vld [tilespmem:s1+$0x200];
	v1 =	vadd.f32 v1, v4  }
0x1c3: {  	v3 =	vadd.f32 v3, v5;
	v4 =	vld [tilespmem:s3+$0x300]  }
0x1c4: {  	v5 =	vld [tilespmem:s1+$0x280];
	v1 =	vadd.f32 v6, v1  }
0x1c5: {  	s16 =	sadd.s32 $0x1A900, s0;
	v2 =	vadd.f32 v2, v3;
	v3 =	vld [tilespmem:s3+$0x380]  }
0x1c6: {  	s3 =	sor.u32 s26, s16;
	s16 =	sor.u32 s25, s16;
	v6 =	vld [tilespmem:s1+$0x300];
	v1 =	vadd.f32 v7, v1  }
0x1c7: {  	s17 =	sadd.s32 $0x1A980, s0;
	v2 =	vadd.f32 v8, v2;
	v7 =	vld [tilespmem:s16+$0x0]  }
0x1c8: {  	s16 =	sor.u32 s25, s17;
	v8 =	vld [tilespmem:s1+$0x380];
	s1 =	sor.u32 s26, s17;
	v1 =	vadd.f32 v4, v1  }
0x1c9: {  	s17 =	sadd.s32 $0x1AA00, s0;
	v2 =	vadd.f32 v5, v2;
	v4 =	vld [tilespmem:s16+$0x0]  }
0x1ca: {  	s16 =	sor.u32 s25, s17;
	v5 =	vld [tilespmem:s3+$0x0];
	s3 =	sor.u32 s26, s17;
	v1 =	vadd.f32 v3, v1  }
0x1cb: {  	s17 =	sadd.s32 $0x1AA80, s0;
	v2 =	vadd.f32 v6, v2;
	v3 =	vld [tilespmem:s16+$0x0]  }
0x1cc: {  	s16 =	sor.u32 s25, s17;
	v6 =	vld [tilespmem:s1+$0x0];
	s1 =	sor.u32 s26, s17;
	v1 =	vadd.f32 v7, v1  }
0x1cd: {  	s17 =	sadd.s32 $0x1AB00, s0;
	v2 =	vadd.f32 v8, v2;
	v7 =	vld [tilespmem:s16+$0x0]  }
0x1ce: {  	s16 =	sor.u32 s25, s17;
	v8 =	vld [tilespmem:s3+$0x0];
	s3 =	sor.u32 s26, s17;
	v1 =	vadd.f32 v4, v1  }
0x1cf: {  	s17 =	sadd.s32 $0x1AB80, s0;
	v4 =	vadd.f32 v5, v2;
	v9 =	vld [tilespmem:s16+$0x0]  }
.Ltmp3:
0x1d0: {  	s4 =	sor.u32 s26, s17;
	v2 =	vld [tilespmem:s1+$0x0];
	v5 =	vadd.f32 v3, v1;
	s1 =	sor.u32 s25, s17;
	(pc) =	sbr.rel @p1 .LBB2_8-.Ltmp3, $4  }
0x1d1: {  	s16 =	sadd.s32 $0x1AC00, s0;
	v4 =	vadd.f32 v6, v4;
	v1 =	vld [tilespmem:s1+$0x0]  }
0x1d2: {  	s1 =	sor.u32 s26, s16;
	v3 =	vld [tilespmem:s3+$0x0];
	v6 =	vadd.f32 v7, v5;
	s3 =	sor.u32 s25, s16  }
0x1d3: {  	s16 =	sadd.s32 $0x1AC80, s0;
	v7 =	vadd.f32 v8, v4;
	v4 =	vld [tilespmem:s3+$0x0]  }
0x1d4: {  	s30 =	sadd.s32 $0x100, s30;
	s31 =	sadd.s32 $0x20, s31;
	s3 =	sor.u32 s25, s16;
	v5 =	vld [tilespmem:s4+$0x0];
	v6 =	vadd.f32 v9, v6  }
0x1d5: {  	v2 =	vadd.f32 v2, v7  }
0x1d6: {  	v63 =	vld [tilespmem:s1+$0x0]  }
0x1d7: {  	s0 =	sor.u32 s26, s16;
	v8 =	vld [tilespmem:s3+$0x0];
	v2 =	vadd.f32 v3, v2  }
0x1d8: {  	v1 =	vadd.f32 v1, v6;
	v3 =	vld [tilespmem:s0+$0x0]  }
0x1d9: {  	v2 =	vadd.f32 v5, v2  }
0x1da: {  	v1 =	vadd.f32 v4, v1  }
0x1db: {  	v2 =	vadd.f32 v63, v2  }
0x1dc: {  	s26 =	sand.u32 $0x180, s24;
	v1 =	vadd.f32 v8, v1  }
0x1dd: {  	s0 =	sor.u32 s25, s26;
	v2 =	vadd.f32 v3, v2  }
0x1de: {  	s29 =	sadd.s32 $0x20, s28;
	[tilespmem:s0+$0x1B900] =	vst v1  }
0x1df: {  	[tilespmem:s29+$0x0] =	vst v2  }
0x1e0: {  	s30 =	simm.s32 $0x1B900;
	s0 =	rddreg [dreg:$0x17]  }
0x1e1: {  	[hbm4b:s0+s2] =	stream.linear.scatter [tilespmem:s30], [sflag:$0x6], $0x200, $0x38;
	[tilespmem:$0x1DB00] =	vst v63  }
0x1e2: {  	_ =	swait.ge [sflag:s21], $0x200  }
0x1e3: {  	s23 =	sadd.s32 $0x1, s23;
	s31 =	rddreg [dreg:$0x19]  }
0x1e4: {  	p1 =	sne.s32 s23, s31  }
.Ltmp4:
0x1e5: {  	_ = 	snop;
	(pc) =	sbr.rel @p1 .LBB2_1-.Ltmp4, $3  }
0x1e6: {  	_ =	sdelay $0x1  }
0x1e7: {  	[sflag:s21] =	ssyncset.done $0x0  }
0x1e8: {  	s16 =	simm.s32 $0x80;
	s17 =	simm.s32 $0x400;
	[sflag:s21] =	ssyncadd.s32 $0xFFFFFE00  }
0x1e9: {  	_ =	sfence.sel $0x180000  }
0x1ea: {  	[bflag:$0x0] =	sbarrier.arrive $0xFFFF  }
0x1eb: {  	_ =	strace $0x90000047  }
0x1ec: {  	s0 =	stileid.u32;
	[bflag:$0x2] =	sbarrier.arrive $0xFFFF  }
0x1ed: {  	p0 =	sne.s32 s0, $0x0;
	s0 =	rddreg [dreg:$0x4]  }
0x1ee: {  	s0 =	sadd.s32 @!p0 $0x100000, s0  }
0x1ef: {  	[sflag:s0] =	ssyncadd.tile.s32 @!p0 $0x1;
	_ =	shalt  }
.Lfunc_end2:
_tile_overlayer_lowered:
.L_overlay_start_2:
0x1f0: {  	(tag) =	ssettag $0x2  }
0x1f1: {  	s0 =	rddreg [dreg:$0x0];
	s2 =	stileid.u32  }
0x1f2: {  	s1 =	rddreg [dreg:$0x1];
	p0 =	sne.s32 s2, $0x0  }
0x1f3: {  	s3 =	rddreg [dreg:$0x2];
	[bflag:$0x3] =	sbarrier.arrive $0xFFFF;
	s2 =	simm.s32 @!p0 $0x1C06  }
0x1f4: {  	[timem:s3], [sflag:s2] =	dma.local @!p0 [hbm:s0], s1  }
0x1f5: {  	s0 =	simm.s32 @!p0 $0x6  }
0x1f6: {  	_ =	swait.ge @!p0 [sflag:s0], s1  }
0x1f7: {  	s1 =	ssub.s32 @!p0 $0x0, s1;
	[sflag:s0] =	ssyncset.done @!p0 $0x0  }
0x1f8: {  	[sflag:s0] =	ssyncadd.s32 @!p0 s1  }
0x1f9: {  	[bflag:$0x3] =	sbarrier.arrive $0xFFFF  }
0x1fa: {  	_ =	shalt  }

</sc_bundles>
